<compile_context>
chip_gen: v7x
topology: tpu7x:2x2x1
jax: 0.10.2.dev20260603
libtpu: 0.0.44.dev20260713+nightly
codegen_flags: <defaults>
</compile_context>

<pallas_src>
import functools

import jax
import jax.numpy as jnp
from jax import lax
from jax.experimental import pallas as pl
from jax.experimental.pallas import tpu as pltpu
from jax.experimental.pallas import tpu_sc as plsc

_info = plsc.get_sparse_core_info()
_NC, _NS, _L = _info.num_cores, _info.num_subcores, _info.num_lanes
_NW = _NC * _NS

_BT = 128
_E = 16
_HW = 128 * 128
_VPAD = 1008
_CH = 2048
_BT_PER_W = _BT // _NW
_NCH = _HW // _CH
_CHUNKS = _BT_PER_W * _NCH


def _sc_embed(x_flat, tab_flat):
    mesh = plsc.VectorSubcoreMesh(core_axis_name="c", subcore_axis_name="s")

    @functools.partial(
        pl.kernel,
        out_type=jax.ShapeDtypeStruct((16, 8, _E, 128, 128), jnp.float32),
        mesh=mesh,
        compiler_params=pltpu.CompilerParams(needs_layout_passes=False),
        scratch_types=[
            pltpu.VMEM((_VPAD * _E,), jnp.float32),
            pltpu.VMEM((2, _CH), jnp.int32),
            pltpu.VMEM((2, _E, _CH // 128, 128), jnp.float32),
            pltpu.SemaphoreType.DMA,
            pltpu.SemaphoreType.DMA,
            pltpu.SemaphoreType.DMA,
            pltpu.SemaphoreType.DMA,
        ],
    )
    def body(x_hbm, tab_hbm, out_hbm, tab_v, idx_v, out_v,
             isem0, isem1, osem0, osem1):
        wid = lax.axis_index("s") * _NC + lax.axis_index("c")
        isems = (isem0, isem1)
        osems = (osem0, osem1)

        pltpu.sync_copy(tab_hbm, tab_v)

        def idx_off(t):
            bt = wid * _BT_PER_W + (t // _NCH)
            return bt * _HW + (t % _NCH) * _CH

        def start_idx(t, b):
            return pltpu.async_copy(
                x_hbm.at[pl.ds(idx_off(t), _CH)], idx_v.at[b], isems[b])

        def wait_idx(b):
            pltpu.make_async_copy(
                x_hbm.at[pl.ds(0, _CH)], idx_v.at[b], isems[b]).wait()

        def start_out(t, b):
            bt = wid * _BT_PER_W + (t // _NCH)
            h0 = (t % _NCH) * (_CH // 128)
            dst = out_hbm.at[bt // 8, bt % 8, :, pl.ds(h0, _CH // 128), :]
            return pltpu.async_copy(out_v.at[b], dst, osems[b])

        def drain_out(b):
            pltpu.make_async_copy(
                out_v.at[b],
                out_hbm.at[0, 0, :, pl.ds(0, _CH // 128), :],
                osems[b]).wait()

        def compute(b):
            @plsc.parallel_loop(0, _CH // _L, 1, unroll=2)
            def _(j):
                pos = j * _L
                idx = idx_v[b, pl.ds(pos, _L)]
                vals = [plsc.load_gather(tab_v, [idx + e * _VPAD])
                        for e in range(_E)]
                h = j // 8
                w0 = (j % 8) * _L
                for e in range(_E):
                    out_v[b, e, h, pl.ds(w0, _L)] = vals[e]

        start_idx(0, 0)
        start_idx(1, 1)

        def outer(tt, carry):
            for b in (0, 1):
                t = tt * 2 + b
                wait_idx(b)

                @pl.when(tt > 0)
                def _():
                    drain_out(b)

                compute(b)
                start_out(t, b)

                @pl.when(t + 2 < _CHUNKS)
                def _():
                    start_idx(t + 2, b)
            return carry

        lax.fori_loop(0, _CHUNKS // 2, outer, 0)
        drain_out(0)
        drain_out(1)

    return body(x_flat, tab_flat)


def kernel(x, table):
    x_flat = x.reshape(-1)
    tab_flat = jnp.pad(table, ((0, _VPAD - table.shape[0]), (0, 0))).T.reshape(-1)
    return _sc_embed(x_flat, tab_flat)

# --- scband reference (transcript-rebuilt; emitter-appended) ---
"""Pipeline reference for scband-categorical-embedding-68719476736242 (READ-ONLY COPY).

The authoritative reference and input builder live on the scoring server;
editing this copy changes nothing except your own understanding.
"""

import jax, jax.numpy as jnp
import numpy as np

CATEGORY_SIZE = 1000
EMBED_DIM = 16

def setup_inputs(seed: int = 0) -> dict:
    key = jax.random.key(seed)
    k1, k2 = jax.random.split(key)
    x = jax.random.randint(k1, (16, 8, 128, 128), 0, CATEGORY_SIZE, dtype=jnp.int32)
    table = jax.random.normal(k2, (CATEGORY_SIZE, EMBED_DIM), dtype=jnp.float32)
    # nn.Embedding(padding_idx=0) initializes the padding row to zeros
    table = table.at[0].set(0.0)
    return {"x": x, "table": table}

def reference(x, table):
    # Faithful translation of CategoricalEmbedding.forward:
    #   out = embed_fn(x.long())           -> table[x], shape (B, T, H, W, E)
    #   out = out.permute(0, 1, 4, 2, 3)   -> (B, T, E, H, W)
    out = jnp.take(table, x, axis=0)
    out = jnp.transpose(out, (0, 1, 4, 2, 3))
    return out

if __name__ == "__main__":
    import jax
    _d = setup_inputs()
    print(jax.jit(kernel)(*tuple(_d.values())))

</pallas_src>

<mosaic_0001>
#map = affine_map<(d0, d1) -> (0)>
#map1 = affine_map<(d0, d1) -> (0, 0, 0, 0, 0)>
module attributes {stable_mosaic.version = 14 : i64} {
  func.func @body(%arg0: i32, %arg1: i32, %arg2: memref<2097152xi32, #tpu.memory_space<hbm>>, %arg3: memref<16128xf32, #tpu.memory_space<hbm>>, %arg4: memref<16x8x16x128x128xf32, #tpu.memory_space<hbm>>, %arg5: memref<16128xf32, #tpu.memory_space<vmem>>, %arg6: memref<2x2048xi32, #tpu.memory_space<vmem>>, %arg7: memref<2x16x16x128xf32, #tpu.memory_space<vmem>>, %arg8: memref<!tpu.dma_semaphore, #tpu.memory_space<semaphore_mem>>, %arg9: memref<!tpu.dma_semaphore, #tpu.memory_space<semaphore_mem>>, %arg10: memref<!tpu.dma_semaphore, #tpu.memory_space<semaphore_mem>>, %arg11: memref<!tpu.dma_semaphore, #tpu.memory_space<semaphore_mem>>) attributes {dimension_semantics = [#tpu.dimension_semantics<core_parallel>, #tpu.dimension_semantics<subcore_parallel>], iteration_bounds = array<i64: 2, 16>, scalar_prefetch = 0 : i64, scratch_operands = 7 : i64, tpu.core_type = #tpu.core_type<sc_vector_subcore>, window_params = [{transform_indices = #map}, {transform_indices = #map}, {transform_indices = #map1}]} {
    %mul3A = arith.constant 2 : i32
    %mul3A_0 = arith.muli %arg1, %mul3A : i32
    %add3A = arith.addi %mul3A_0, %arg0 : i32
    "tpu.region"() ({
      %run_scoped3A = tpu.sem_alloc : memref<!tpu.dma_semaphore, #tpu.memory_space<semaphore_mem>>
      tpu.enqueue_dma source(%arg3 : memref<16128xf32, #tpu.memory_space<hbm>>) target(%arg5 : memref<16128xf32, #tpu.memory_space<vmem>>) target_semaphore(%run_scoped3A : memref<!tpu.dma_semaphore, #tpu.memory_space<semaphore_mem>>)
      tpu.wait_dma2 semaphore(%run_scoped3A : memref<!tpu.dma_semaphore, #tpu.memory_space<semaphore_mem>>) src(%arg3 : memref<16128xf32, #tpu.memory_space<hbm>>) dst(%arg5 : memref<16128xf32, #tpu.memory_space<vmem>>)
      tpu.yield
    }) : () -> ()
    %mul3A_1 = arith.constant 4 : i32
    %mul3A_2 = arith.muli %add3A, %mul3A_1 : i32
    %add3A_3 = arith.constant 0 : i32
    %add3A_4 = arith.addi %mul3A_2, %add3A_3 : i32
    %mul3A_5 = arith.constant 16384 : i32
    %mul3A_6 = arith.muli %add3A_4, %mul3A_5 : i32
    %add3A_7 = arith.constant 0 : i32
    %add3A_8 = arith.addi %mul3A_6, %add3A_7 : i32
    %dma_start3A = arith.constant 0 : i32
    %dma_start3A_9 = arith.constant 0 : i32
    %dma_start3A_10 = tpu.memref_slice %arg6[%dma_start3A, %dma_start3A_9] : memref<2x2048xi32, #tpu.memory_space<vmem>> -> memref<1x2048xi32, #tpu.memory_space<vmem>>
    %dma_start3A_11 = tpu.memref_squeeze %dma_start3A_10 : memref<1x2048xi32, #tpu.memory_space<vmem>> -> memref<2048xi32, #tpu.memory_space<vmem>>
    %dma_start3A_12 = tpu.memref_slice %arg2[%add3A_8] : memref<2097152xi32, #tpu.memory_space<hbm>> -> memref<2048xi32, #tpu.memory_space<hbm>>
    %dma_start3A_13 = arith.constant 0 : i32
    %dma_start3A_14 = tpu.memref_slice %arg6[%dma_start3A, %dma_start3A_13] : memref<2x2048xi32, #tpu.memory_space<vmem>> -> memref<1x2048xi32, #tpu.memory_space<vmem>>
    %dma_start3A_15 = tpu.memref_squeeze %dma_start3A_14 : memref<1x2048xi32, #tpu.memory_space<vmem>> -> memref<2048xi32, #tpu.memory_space<vmem>>
    %dma_start3A_16 = tpu.memref_slice %arg2[%add3A_8] : memref<2097152xi32, #tpu.memory_space<hbm>> -> memref<2048xi32, #tpu.memory_space<hbm>>
    tpu.enqueue_dma source(%dma_start3A_16 : memref<2048xi32, #tpu.memory_space<hbm>>) target(%dma_start3A_15 : memref<2048xi32, #tpu.memory_space<vmem>>) target_semaphore(%arg8 : memref<!tpu.dma_semaphore, #tpu.memory_space<semaphore_mem>>)
    %mul3A_17 = arith.constant 4 : i32
    %mul3A_18 = arith.muli %add3A, %mul3A_17 : i32
    %add3A_19 = arith.constant 0 : i32
    %add3A_20 = arith.addi %mul3A_18, %add3A_19 : i32
    %mul3A_21 = arith.constant 16384 : i32
    %mul3A_22 = arith.muli %add3A_20, %mul3A_21 : i32
    %add3A_23 = arith.constant 2048 : i32
    %add3A_24 = arith.addi %mul3A_22, %add3A_23 : i32
    %dma_start3A_25 = arith.constant 1 : i32
    %dma_start3A_26 = arith.constant 0 : i32
    %dma_start3A_27 = tpu.memref_slice %arg6[%dma_start3A_25, %dma_start3A_26] : memref<2x2048xi32, #tpu.memory_space<vmem>> -> memref<1x2048xi32, #tpu.memory_space<vmem>>
    %dma_start3A_28 = tpu.memref_squeeze %dma_start3A_27 : memref<1x2048xi32, #tpu.memory_space<vmem>> -> memref<2048xi32, #tpu.memory_space<vmem>>
    %dma_start3A_29 = tpu.memref_slice %arg2[%add3A_24] : memref<2097152xi32, #tpu.memory_space<hbm>> -> memref<2048xi32, #tpu.memory_space<hbm>>
    %dma_start3A_30 = arith.constant 0 : i32
    %dma_start3A_31 = tpu.memref_slice %arg6[%dma_start3A_25, %dma_start3A_30] : memref<2x2048xi32, #tpu.memory_space<vmem>> -> memref<1x2048xi32, #tpu.memory_space<vmem>>
    %dma_start3A_32 = tpu.memref_squeeze %dma_start3A_31 : memref<1x2048xi32, #tpu.memory_space<vmem>> -> memref<2048xi32, #tpu.memory_space<vmem>>
    %dma_start3A_33 = tpu.memref_slice %arg2[%add3A_24] : memref<2097152xi32, #tpu.memory_space<hbm>> -> memref<2048xi32, #tpu.memory_space<hbm>>
    tpu.enqueue_dma source(%dma_start3A_33 : memref<2048xi32, #tpu.memory_space<hbm>>) target(%dma_start3A_32 : memref<2048xi32, #tpu.memory_space<vmem>>) target_semaphore(%arg9 : memref<!tpu.dma_semaphore, #tpu.memory_space<semaphore_mem>>)
    %scan3A = arith.constant 0 : i32
    %scan3A_34 = arith.constant 0 : i32
    %scan3A_35 = arith.constant 16 : i32
    %scan3A_36 = arith.addi %scan3A_34, %scan3A_35 : i32
    %scan3A_37 = arith.constant 1 : i32
    scf.for %scan3A_84 = %scan3A_34 to %scan3A_36 step %scan3A_37  : i32 {
      %mul3A_85 = arith.constant 2 : i32
      %mul3A_86 = arith.muli %scan3A_84, %mul3A_85 : i32
      %add3A_87 = arith.constant 0 : i32
      %add3A_88 = arith.addi %mul3A_86, %add3A_87 : i32
      %dma_wait3A_89 = arith.constant 0 : i32
      %dma_wait3A_90 = arith.constant 0 : i32
      %dma_wait3A_91 = tpu.memref_slice %arg6[%dma_wait3A_89, %dma_wait3A_90] : memref<2x2048xi32, #tpu.memory_space<vmem>> -> memref<1x2048xi32, #tpu.memory_space<vmem>>
      %dma_wait3A_92 = tpu.memref_squeeze %dma_wait3A_91 : memref<1x2048xi32, #tpu.memory_space<vmem>> -> memref<2048xi32, #tpu.memory_space<vmem>>
      %dma_wait3A_93 = arith.constant 0 : i32
      %dma_wait3A_94 = tpu.memref_slice %arg2[%dma_wait3A_93] : memref<2097152xi32, #tpu.memory_space<hbm>> -> memref<2048xi32, #tpu.memory_space<hbm>>
      %dma_wait3A_95 = arith.constant 0 : i32
      %dma_wait3A_96 = tpu.memref_slice %arg6[%dma_wait3A_89, %dma_wait3A_95] : memref<2x2048xi32, #tpu.memory_space<vmem>> -> memref<1x2048xi32, #tpu.memory_space<vmem>>
      %dma_wait3A_97 = tpu.memref_squeeze %dma_wait3A_96 : memref<1x2048xi32, #tpu.memory_space<vmem>> -> memref<2048xi32, #tpu.memory_space<vmem>>
      %dma_wait3A_98 = arith.constant 0 : i32
      %dma_wait3A_99 = tpu.memref_slice %arg2[%dma_wait3A_98] : memref<2097152xi32, #tpu.memory_space<hbm>> -> memref<2048xi32, #tpu.memory_space<hbm>>
      tpu.wait_dma2 semaphore(%arg8 : memref<!tpu.dma_semaphore, #tpu.memory_space<semaphore_mem>>) src(%dma_wait3A_99 : memref<2048xi32, #tpu.memory_space<hbm>>) dst(%dma_wait3A_97 : memref<2048xi32, #tpu.memory_space<vmem>>)
      %gt3A = arith.constant 0 : i32
      %gt3A_100 = arith.cmpi sgt, %scan3A_84, %gt3A : i32
      %convert_element_type3A = arith.extui %gt3A_100 : i1 to i32
      %cond3A = arith.constant 0 : i32
      %cond3A_101 = arith.cmpi ne, %convert_element_type3A, %cond3A : i32
      scf.if %cond3A_101 {
        %dma_wait3A_339 = arith.constant 0 : i32
        %dma_wait3A_340 = arith.constant 0 : i32
        %dma_wait3A_341 = arith.constant 0 : i32
        %dma_wait3A_342 = arith.constant 0 : i32
        %dma_wait3A_343 = arith.constant 0 : i32
        %dma_wait3A_344 = arith.constant 0 : i32
        %dma_wait3A_345 = tpu.memref_slice %arg7[%dma_wait3A_339, %dma_wait3A_342, %dma_wait3A_343, %dma_wait3A_344] : memref<2x16x16x128xf32, #tpu.memory_space<vmem>> -> memref<1x16x16x128xf32, #tpu.memory_space<vmem>>
        %dma_wait3A_346 = tpu.memref_squeeze %dma_wait3A_345 : memref<1x16x16x128xf32, #tpu.memory_space<vmem>> -> memref<16x16x128xf32, #tpu.memory_space<vmem>>
        %dma_wait3A_347 = arith.constant 0 : i32
        %dma_wait3A_348 = arith.constant 0 : i32
        %dma_wait3A_349 = arith.constant 0 : i32
        %dma_wait3A_350 = tpu.memref_slice %arg4[%dma_wait3A_340, %dma_wait3A_341, %dma_wait3A_347, %dma_wait3A_348, %dma_wait3A_349] : memref<16x8x16x128x128xf32, #tpu.memory_space<hbm>> -> memref<1x1x16x16x128xf32, #tpu.memory_space<hbm>>
        %dma_wait3A_351 = tpu.memref_squeeze %dma_wait3A_350 : memref<1x1x16x16x128xf32, #tpu.memory_space<hbm>> -> memref<16x16x128xf32, #tpu.memory_space<hbm>>
        %dma_wait3A_352 = arith.constant 0 : i32
        %dma_wait3A_353 = arith.constant 0 : i32
        %dma_wait3A_354 = arith.constant 0 : i32
        %dma_wait3A_355 = tpu.memref_slice %arg4[%dma_wait3A_340, %dma_wait3A_341, %dma_wait3A_352, %dma_wait3A_353, %dma_wait3A_354] : memref<16x8x16x128x128xf32, #tpu.memory_space<hbm>> -> memref<1x1x16x16x128xf32, #tpu.memory_space<hbm>>
        %dma_wait3A_356 = tpu.memref_squeeze %dma_wait3A_355 : memref<1x1x16x16x128xf32, #tpu.memory_space<hbm>> -> memref<16x16x128xf32, #tpu.memory_space<hbm>>
        %dma_wait3A_357 = arith.constant 0 : i32
        %dma_wait3A_358 = arith.constant 0 : i32
        %dma_wait3A_359 = arith.constant 0 : i32
        %dma_wait3A_360 = tpu.memref_slice %arg7[%dma_wait3A_339, %dma_wait3A_357, %dma_wait3A_358, %dma_wait3A_359] : memref<2x16x16x128xf32, #tpu.memory_space<vmem>> -> memref<1x16x16x128xf32, #tpu.memory_space<vmem>>
        %dma_wait3A_361 = tpu.memref_squeeze %dma_wait3A_360 : memref<1x16x16x128xf32, #tpu.memory_space<vmem>> -> memref<16x16x128xf32, #tpu.memory_space<vmem>>
        tpu.wait_dma2 semaphore(%arg10 : memref<!tpu.dma_semaphore, #tpu.memory_space<semaphore_mem>>) src(%dma_wait3A_361 : memref<16x16x128xf32, #tpu.memory_space<vmem>>) dst(%dma_wait3A_356 : memref<16x16x128xf32, #tpu.memory_space<hbm>>)
      } else {
      }
      %parallel_loop3A = arith.constant 0 : i32
      %parallel_loop3A_102 = arith.constant 128 : i32
      %parallel_loop3A_103 = arith.constant 1 : i32
      scf.for %parallel_loop3A_339 = %parallel_loop3A to %parallel_loop3A_102 step %parallel_loop3A_103  : i32 {
        %parallel_loop3A_340 = arith.constant 16 : i32
        %parallel_loop3A_341 = arith.muli %parallel_loop3A_339, %parallel_loop3A_340 : i32
        %parallel_loop3A_342 = arith.constant 0 : i32
        %parallel_loop3A_343 = arith.index_cast %parallel_loop3A_342 : i32 to index
        %parallel_loop3A_344 = arith.index_cast %parallel_loop3A_341 : i32 to index
        %parallel_loop3A_345 = tpu.vector_load %arg6[%parallel_loop3A_343, %parallel_loop3A_344] {strides = array<i32>} : memref<2x2048xi32, #tpu.memory_space<vmem>>, vector<16xi32>,
        %parallel_loop3A_346 = arith.constant 0 : i32
        %parallel_loop3A_347 = vector.broadcast %parallel_loop3A_346 : i32 to vector<16xi32>
        %parallel_loop3A_348 = arith.addi %parallel_loop3A_345, %parallel_loop3A_347 : vector<16xi32>
        %parallel_loop3A_349 = tpu.vector_load_idx %arg5[%parallel_loop3A_348] : memref<16128xf32, #tpu.memory_space<vmem>>[vector<16xi32>], vector<16xf32>,
        %parallel_loop3A_350 = arith.constant 1008 : i32
        %parallel_loop3A_351 = vector.broadcast %parallel_loop3A_350 : i32 to vector<16xi32>
        %parallel_loop3A_352 = arith.addi %parallel_loop3A_345, %parallel_loop3A_351 : vector<16xi32>
        %parallel_loop3A_353 = tpu.vector_load_idx %arg5[%parallel_loop3A_352] : memref<16128xf32, #tpu.memory_space<vmem>>[vector<16xi32>], vector<16xf32>,
        %parallel_loop3A_354 = arith.constant 2016 : i32
        %parallel_loop3A_355 = vector.broadcast %parallel_loop3A_354 : i32 to vector<16xi32>
        %parallel_loop3A_356 = arith.addi %parallel_loop3A_345, %parallel_loop3A_355 : vector<16xi32>
        %parallel_loop3A_357 = tpu.vector_load_idx %arg5[%parallel_loop3A_356] : memref<16128xf32, #tpu.memory_space<vmem>>[vector<16xi32>], vector<16xf32>,
        %parallel_loop3A_358 = arith.constant 3024 : i32
        %parallel_loop3A_359 = vector.broadcast %parallel_loop3A_358 : i32 to vector<16xi32>
        %parallel_loop3A_360 = arith.addi %parallel_loop3A_345, %parallel_loop3A_359 : vector<16xi32>
        %parallel_loop3A_361 = tpu.vector_load_idx %arg5[%parallel_loop3A_360] : memref<16128xf32, #tpu.memory_space<vmem>>[vector<16xi32>], vector<16xf32>,
        %parallel_loop3A_362 = arith.constant 4032 : i32
        %parallel_loop3A_363 = vector.broadcast %parallel_loop3A_362 : i32 to vector<16xi32>
        %parallel_loop3A_364 = arith.addi %parallel_loop3A_345, %parallel_loop3A_363 : vector<16xi32>
        %parallel_loop3A_365 = tpu.vector_load_idx %arg5[%parallel_loop3A_364] : memref<16128xf32, #tpu.memory_space<vmem>>[vector<16xi32>], vector<16xf32>,
        %parallel_loop3A_366 = arith.constant 5040 : i32
        %parallel_loop3A_367 = vector.broadcast %parallel_loop3A_366 : i32 to vector<16xi32>
        %parallel_loop3A_368 = arith.addi %parallel_loop3A_345, %parallel_loop3A_367 : vector<16xi32>
        %parallel_loop3A_369 = tpu.vector_load_idx %arg5[%parallel_loop3A_368] : memref<16128xf32, #tpu.memory_space<vmem>>[vector<16xi32>], vector<16xf32>,
        %parallel_loop3A_370 = arith.constant 6048 : i32
        %parallel_loop3A_371 = vector.broadcast %parallel_loop3A_370 : i32 to vector<16xi32>
        %parallel_loop3A_372 = arith.addi %parallel_loop3A_345, %parallel_loop3A_371 : vector<16xi32>
        %parallel_loop3A_373 = tpu.vector_load_idx %arg5[%parallel_loop3A_372] : memref<16128xf32, #tpu.memory_space<vmem>>[vector<16xi32>], vector<16xf32>,
        %parallel_loop3A_374 = arith.constant 7056 : i32
        %parallel_loop3A_375 = vector.broadcast %parallel_loop3A_374 : i32 to vector<16xi32>
        %parallel_loop3A_376 = arith.addi %parallel_loop3A_345, %parallel_loop3A_375 : vector<16xi32>
        %parallel_loop3A_377 = tpu.vector_load_idx %arg5[%parallel_loop3A_376] : memref<16128xf32, #tpu.memory_space<vmem>>[vector<16xi32>], vector<16xf32>,
        %parallel_loop3A_378 = arith.constant 8064 : i32
        %parallel_loop3A_379 = vector.broadcast %parallel_loop3A_378 : i32 to vector<16xi32>
        %parallel_loop3A_380 = arith.addi %parallel_loop3A_345, %parallel_loop3A_379 : vector<16xi32>
        %parallel_loop3A_381 = tpu.vector_load_idx %arg5[%parallel_loop3A_380] : memref<16128xf32, #tpu.memory_space<vmem>>[vector<16xi32>], vector<16xf32>,
        %parallel_loop3A_382 = arith.constant 9072 : i32
        %parallel_loop3A_383 = vector.broadcast %parallel_loop3A_382 : i32 to vector<16xi32>
        %parallel_loop3A_384 = arith.addi %parallel_loop3A_345, %parallel_loop3A_383 : vector<16xi32>
        %parallel_loop3A_385 = tpu.vector_load_idx %arg5[%parallel_loop3A_384] : memref<16128xf32, #tpu.memory_space<vmem>>[vector<16xi32>], vector<16xf32>,
        %parallel_loop3A_386 = arith.constant 10080 : i32
        %parallel_loop3A_387 = vector.broadcast %parallel_loop3A_386 : i32 to vector<16xi32>
        %parallel_loop3A_388 = arith.addi %parallel_loop3A_345, %parallel_loop3A_387 : vector<16xi32>
        %parallel_loop3A_389 = tpu.vector_load_idx %arg5[%parallel_loop3A_388] : memref<16128xf32, #tpu.memory_space<vmem>>[vector<16xi32>], vector<16xf32>,
        %parallel_loop3A_390 = arith.constant 11088 : i32
        %parallel_loop3A_391 = vector.broadcast %parallel_loop3A_390 : i32 to vector<16xi32>
        %parallel_loop3A_392 = arith.addi %parallel_loop3A_345, %parallel_loop3A_391 : vector<16xi32>
        %parallel_loop3A_393 = tpu.vector_load_idx %arg5[%parallel_loop3A_392] : memref<16128xf32, #tpu.memory_space<vmem>>[vector<16xi32>], vector<16xf32>,
        %parallel_loop3A_394 = arith.constant 12096 : i32
        %parallel_loop3A_395 = vector.broadcast %parallel_loop3A_394 : i32 to vector<16xi32>
        %parallel_loop3A_396 = arith.addi %parallel_loop3A_345, %parallel_loop3A_395 : vector<16xi32>
        %parallel_loop3A_397 = tpu.vector_load_idx %arg5[%parallel_loop3A_396] : memref<16128xf32, #tpu.memory_space<vmem>>[vector<16xi32>], vector<16xf32>,
        %parallel_loop3A_398 = arith.constant 13104 : i32
        %parallel_loop3A_399 = vector.broadcast %parallel_loop3A_398 : i32 to vector<16xi32>
        %parallel_loop3A_400 = arith.addi %parallel_loop3A_345, %parallel_loop3A_399 : vector<16xi32>
        %parallel_loop3A_401 = tpu.vector_load_idx %arg5[%parallel_loop3A_400] : memref<16128xf32, #tpu.memory_space<vmem>>[vector<16xi32>], vector<16xf32>,
        %parallel_loop3A_402 = arith.constant 14112 : i32
        %parallel_loop3A_403 = vector.broadcast %parallel_loop3A_402 : i32 to vector<16xi32>
        %parallel_loop3A_404 = arith.addi %parallel_loop3A_345, %parallel_loop3A_403 : vector<16xi32>
        %parallel_loop3A_405 = tpu.vector_load_idx %arg5[%parallel_loop3A_404] : memref<16128xf32, #tpu.memory_space<vmem>>[vector<16xi32>], vector<16xf32>,
        %parallel_loop3A_406 = arith.constant 15120 : i32
        %parallel_loop3A_407 = vector.broadcast %parallel_loop3A_406 : i32 to vector<16xi32>
        %parallel_loop3A_408 = arith.addi %parallel_loop3A_345, %parallel_loop3A_407 : vector<16xi32>
        %parallel_loop3A_409 = tpu.vector_load_idx %arg5[%parallel_loop3A_408] : memref<16128xf32, #tpu.memory_space<vmem>>[vector<16xi32>], vector<16xf32>,
        %parallel_loop3A_410 = arith.constant 8 : i32
        %parallel_loop3A_411 = arith.divsi %parallel_loop3A_339, %parallel_loop3A_410 : i32
        %parallel_loop3A_412 = arith.constant 0 : i32
        %parallel_loop3A_413 = arith.cmpi sgt, %parallel_loop3A_339, %parallel_loop3A_412 : i32
        %parallel_loop3A_414 = arith.extui %parallel_loop3A_413 : i1 to i32
        %parallel_loop3A_415 = arith.constant 0 : i32
        %parallel_loop3A_416 = arith.cmpi slt, %parallel_loop3A_339, %parallel_loop3A_415 : i32
        %parallel_loop3A_417 = arith.extui %parallel_loop3A_416 : i1 to i32
        %parallel_loop3A_418 = arith.subi %parallel_loop3A_414, %parallel_loop3A_417 : i32
        %parallel_loop3A_419 = arith.constant 0 : i32
        %parallel_loop3A_420 = arith.cmpi sgt, %parallel_loop3A_410, %parallel_loop3A_419 : i32
        %parallel_loop3A_421 = arith.extui %parallel_loop3A_420 : i1 to i32
        %parallel_loop3A_422 = arith.constant 0 : i32
        %parallel_loop3A_423 = arith.cmpi slt, %parallel_loop3A_410, %parallel_loop3A_422 : i32
        %parallel_loop3A_424 = arith.extui %parallel_loop3A_423 : i1 to i32
        %parallel_loop3A_425 = arith.subi %parallel_loop3A_421, %parallel_loop3A_424 : i32
        %parallel_loop3A_426 = arith.cmpi ne, %parallel_loop3A_418, %parallel_loop3A_425 : i32
        %parallel_loop3A_427 = arith.remsi %parallel_loop3A_339, %parallel_loop3A_410 : i32
        %parallel_loop3A_428 = arith.constant 0 : i32
        %parallel_loop3A_429 = arith.cmpi ne, %parallel_loop3A_427, %parallel_loop3A_428 : i32
        %parallel_loop3A_430 = arith.andi %parallel_loop3A_426, %parallel_loop3A_429 : i1
        %parallel_loop3A_431 = arith.constant 1 : i32
        %parallel_loop3A_432 = arith.subi %parallel_loop3A_411, %parallel_loop3A_431 : i32
        %parallel_loop3A_433 = arith.select %parallel_loop3A_430, %parallel_loop3A_432, %parallel_loop3A_411 : i32
        %parallel_loop3A_434 = arith.constant 8 : i32
        %parallel_loop3A_435 = arith.constant 0 : i32
        %parallel_loop3A_436 = arith.cmpi eq, %parallel_loop3A_434, %parallel_loop3A_435 : i32
        %parallel_loop3A_437 = arith.constant 1 : i32
        %parallel_loop3A_438 = arith.select %parallel_loop3A_436, %parallel_loop3A_437, %parallel_loop3A_434 : i32
        %parallel_loop3A_439 = arith.remsi %parallel_loop3A_339, %parallel_loop3A_438 : i32
        %parallel_loop3A_440 = arith.constant 0 : i32
        %parallel_loop3A_441 = arith.cmpi ne, %parallel_loop3A_439, %parallel_loop3A_440 : i32
        %parallel_loop3A_442 = arith.constant 0 : i32
        %parallel_loop3A_443 = arith.cmpi slt, %parallel_loop3A_439, %parallel_loop3A_442 : i32
        %parallel_loop3A_444 = arith.constant 0 : i32
        %parallel_loop3A_445 = arith.cmpi slt, %parallel_loop3A_438, %parallel_loop3A_444 : i32
        %parallel_loop3A_446 = arith.xori %parallel_loop3A_443, %parallel_loop3A_445 : i1
        %parallel_loop3A_447 = arith.andi %parallel_loop3A_446, %parallel_loop3A_441 : i1
        %parallel_loop3A_448 = arith.addi %parallel_loop3A_439, %parallel_loop3A_438 : i32
        %parallel_loop3A_449 = arith.select %parallel_loop3A_447, %parallel_loop3A_448, %parallel_loop3A_439 : i32
        %parallel_loop3A_450 = arith.constant 16 : i32
        %parallel_loop3A_451 = arith.muli %parallel_loop3A_449, %parallel_loop3A_450 : i32
        %parallel_loop3A_452 = arith.constant 0 : i32
        %parallel_loop3A_453 = arith.constant 0 : i32
        %parallel_loop3A_454 = arith.index_cast %parallel_loop3A_452 : i32 to index
        %parallel_loop3A_455 = arith.index_cast %parallel_loop3A_453 : i32 to index
        %parallel_loop3A_456 = arith.index_cast %parallel_loop3A_433 : i32 to index
        %parallel_loop3A_457 = arith.index_cast %parallel_loop3A_451 : i32 to index
        %parallel_loop3A_458 = tpu.vector_load %arg7[%parallel_loop3A_454, %parallel_loop3A_455, %parallel_loop3A_456, %parallel_loop3A_457] {strides = array<i32>} : memref<2x16x16x128xf32, #tpu.memory_space<vmem>>, vector<16xf32>,
        tpu.vector_store %arg7[%parallel_loop3A_454, %parallel_loop3A_455, %parallel_loop3A_456, %parallel_loop3A_457], %parallel_loop3A_349 {strides = array<i32>} : memref<2x16x16x128xf32, #tpu.memory_space<vmem>>, vector<16xf32>,
        %parallel_loop3A_459 = arith.constant 0 : i32
        %parallel_loop3A_460 = arith.constant 1 : i32
        %parallel_loop3A_461 = arith.index_cast %parallel_loop3A_459 : i32 to index
        %parallel_loop3A_462 = arith.index_cast %parallel_loop3A_460 : i32 to index
        %parallel_loop3A_463 = arith.index_cast %parallel_loop3A_433 : i32 to index
        %parallel_loop3A_464 = arith.index_cast %parallel_loop3A_451 : i32 to index
        %parallel_loop3A_465 = tpu.vector_load %arg7[%parallel_loop3A_461, %parallel_loop3A_462, %parallel_loop3A_463, %parallel_loop3A_464] {strides = array<i32>} : memref<2x16x16x128xf32, #tpu.memory_space<vmem>>, vector<16xf32>,
        tpu.vector_store %arg7[%parallel_loop3A_461, %parallel_loop3A_462, %parallel_loop3A_463, %parallel_loop3A_464], %parallel_loop3A_353 {strides = array<i32>} : memref<2x16x16x128xf32, #tpu.memory_space<vmem>>, vector<16xf32>,
        %parallel_loop3A_466 = arith.constant 0 : i32
        %parallel_loop3A_467 = arith.constant 2 : i32
        %parallel_loop3A_468 = arith.index_cast %parallel_loop3A_466 : i32 to index
        %parallel_loop3A_469 = arith.index_cast %parallel_loop3A_467 : i32 to index
        %parallel_loop3A_470 = arith.index_cast %parallel_loop3A_433 : i32 to index
        %parallel_loop3A_471 = arith.index_cast %parallel_loop3A_451 : i32 to index
        %parallel_loop3A_472 = tpu.vector_load %arg7[%parallel_loop3A_468, %parallel_loop3A_469, %parallel_loop3A_470, %parallel_loop3A_471] {strides = array<i32>} : memref<2x16x16x128xf32, #tpu.memory_space<vmem>>, vector<16xf32>,
        tpu.vector_store %arg7[%parallel_loop3A_468, %parallel_loop3A_469, %parallel_loop3A_470, %parallel_loop3A_471], %parallel_loop3A_357 {strides = array<i32>} : memref<2x16x16x128xf32, #tpu.memory_space<vmem>>, vector<16xf32>,
        %parallel_loop3A_473 = arith.constant 0 : i32
        %parallel_loop3A_474 = arith.constant 3 : i32
        %parallel_loop3A_475 = arith.index_cast %parallel_loop3A_473 : i32 to index
        %parallel_loop3A_476 = arith.index_cast %parallel_loop3A_474 : i32 to index
        %parallel_loop3A_477 = arith.index_cast %parallel_loop3A_433 : i32 to index
        %parallel_loop3A_478 = arith.index_cast %parallel_loop3A_451 : i32 to index
        %parallel_loop3A_479 = tpu.vector_load %arg7[%parallel_loop3A_475, %parallel_loop3A_476, %parallel_loop3A_477, %parallel_loop3A_478] {strides = array<i32>} : memref<2x16x16x128xf32, #tpu.memory_space<vmem>>, vector<16xf32>,
        tpu.vector_store %arg7[%parallel_loop3A_475, %parallel_loop3A_476, %parallel_loop3A_477, %parallel_loop3A_478], %parallel_loop3A_361 {strides = array<i32>} : memref<2x16x16x128xf32, #tpu.memory_space<vmem>>, vector<16xf32>,
        %parallel_loop3A_480 = arith.constant 0 : i32
        %parallel_loop3A_481 = arith.constant 4 : i32
        %parallel_loop3A_482 = arith.index_cast %parallel_loop3A_480 : i32 to index
        %parallel_loop3A_483 = arith.index_cast %parallel_loop3A_481 : i32 to index
        %parallel_loop3A_484 = arith.index_cast %parallel_loop3A_433 : i32 to index
        %parallel_loop3A_485 = arith.index_cast %parallel_loop3A_451 : i32 to index
        %parallel_loop3A_486 = tpu.vector_load %arg7[%parallel_loop3A_482, %parallel_loop3A_483, %parallel_loop3A_484, %parallel_loop3A_485] {strides = array<i32>} : memref<2x16x16x128xf32, #tpu.memory_space<vmem>>, vector<16xf32>,
        tpu.vector_store %arg7[%parallel_loop3A_482, %parallel_loop3A_483, %parallel_loop3A_484, %parallel_loop3A_485], %parallel_loop3A_365 {strides = array<i32>} : memref<2x16x16x128xf32, #tpu.memory_space<vmem>>, vector<16xf32>,
        %parallel_loop3A_487 = arith.constant 0 : i32
        %parallel_loop3A_488 = arith.constant 5 : i32
        %parallel_loop3A_489 = arith.index_cast %parallel_loop3A_487 : i32 to index
        %parallel_loop3A_490 = arith.index_cast %parallel_loop3A_488 : i32 to index
        %parallel_loop3A_491 = arith.index_cast %parallel_loop3A_433 : i32 to index
        %parallel_loop3A_492 = arith.index_cast %parallel_loop3A_451 : i32 to index
        %parallel_loop3A_493 = tpu.vector_load %arg7[%parallel_loop3A_489, %parallel_loop3A_490, %parallel_loop3A_491, %parallel_loop3A_492] {strides = array<i32>} : memref<2x16x16x128xf32, #tpu.memory_space<vmem>>, vector<16xf32>,
        tpu.vector_store %arg7[%parallel_loop3A_489, %parallel_loop3A_490, %parallel_loop3A_491, %parallel_loop3A_492], %parallel_loop3A_369 {strides = array<i32>} : memref<2x16x16x128xf32, #tpu.memory_space<vmem>>, vector<16xf32>,
        %parallel_loop3A_494 = arith.constant 0 : i32
        %parallel_loop3A_495 = arith.constant 6 : i32
        %parallel_loop3A_496 = arith.index_cast %parallel_loop3A_494 : i32 to index
        %parallel_loop3A_497 = arith.index_cast %parallel_loop3A_495 : i32 to index
        %parallel_loop3A_498 = arith.index_cast %parallel_loop3A_433 : i32 to index
        %parallel_loop3A_499 = arith.index_cast %parallel_loop3A_451 : i32 to index
        %parallel_loop3A_500 = tpu.vector_load %arg7[%parallel_loop3A_496, %parallel_loop3A_497, %parallel_loop3A_498, %parallel_loop3A_499] {strides = array<i32>} : memref<2x16x16x128xf32, #tpu.memory_space<vmem>>, vector<16xf32>,
        tpu.vector_store %arg7[%parallel_loop3A_496, %parallel_loop3A_497, %parallel_loop3A_498, %parallel_loop3A_499], %parallel_loop3A_373 {strides = array<i32>} : memref<2x16x16x128xf32, #tpu.memory_space<vmem>>, vector<16xf32>,
        %parallel_loop3A_501 = arith.constant 0 : i32
        %parallel_loop3A_502 = arith.constant 7 : i32
        %parallel_loop3A_503 = arith.index_cast %parallel_loop3A_501 : i32 to index
        %parallel_loop3A_504 = arith.index_cast %parallel_loop3A_502 : i32 to index
        %parallel_loop3A_505 = arith.index_cast %parallel_loop3A_433 : i32 to index
        %parallel_loop3A_506 = arith.index_cast %parallel_loop3A_451 : i32 to index
        %parallel_loop3A_507 = tpu.vector_load %arg7[%parallel_loop3A_503, %parallel_loop3A_504, %parallel_loop3A_505, %parallel_loop3A_506] {strides = array<i32>} : memref<2x16x16x128xf32, #tpu.memory_space<vmem>>, vector<16xf32>,
        tpu.vector_store %arg7[%parallel_loop3A_503, %parallel_loop3A_504, %parallel_loop3A_505, %parallel_loop3A_506], %parallel_loop3A_377 {strides = array<i32>} : memref<2x16x16x128xf32, #tpu.memory_space<vmem>>, vector<16xf32>,
        %parallel_loop3A_508 = arith.constant 0 : i32
        %parallel_loop3A_509 = arith.constant 8 : i32
        %parallel_loop3A_510 = arith.index_cast %parallel_loop3A_508 : i32 to index
        %parallel_loop3A_511 = arith.index_cast %parallel_loop3A_509 : i32 to index
        %parallel_loop3A_512 = arith.index_cast %parallel_loop3A_433 : i32 to index
        %parallel_loop3A_513 = arith.index_cast %parallel_loop3A_451 : i32 to index
        %parallel_loop3A_514 = tpu.vector_load %arg7[%parallel_loop3A_510, %parallel_loop3A_511, %parallel_loop3A_512, %parallel_loop3A_513] {strides = array<i32>} : memref<2x16x16x128xf32, #tpu.memory_space<vmem>>, vector<16xf32>,
        tpu.vector_store %arg7[%parallel_loop3A_510, %parallel_loop3A_511, %parallel_loop3A_512, %parallel_loop3A_513], %parallel_loop3A_381 {strides = array<i32>} : memref<2x16x16x128xf32, #tpu.memory_space<vmem>>, vector<16xf32>,
        %parallel_loop3A_515 = arith.constant 0 : i32
        %parallel_loop3A_516 = arith.constant 9 : i32
        %parallel_loop3A_517 = arith.index_cast %parallel_loop3A_515 : i32 to index
        %parallel_loop3A_518 = arith.index_cast %parallel_loop3A_516 : i32 to index
        %parallel_loop3A_519 = arith.index_cast %parallel_loop3A_433 : i32 to index
        %parallel_loop3A_520 = arith.index_cast %parallel_loop3A_451 : i32 to index
        %parallel_loop3A_521 = tpu.vector_load %arg7[%parallel_loop3A_517, %parallel_loop3A_518, %parallel_loop3A_519, %parallel_loop3A_520] {strides = array<i32>} : memref<2x16x16x128xf32, #tpu.memory_space<vmem>>, vector<16xf32>,
        tpu.vector_store %arg7[%parallel_loop3A_517, %parallel_loop3A_518, %parallel_loop3A_519, %parallel_loop3A_520], %parallel_loop3A_385 {strides = array<i32>} : memref<2x16x16x128xf32, #tpu.memory_space<vmem>>, vector<16xf32>,
        %parallel_loop3A_522 = arith.constant 0 : i32
        %parallel_loop3A_523 = arith.constant 10 : i32
        %parallel_loop3A_524 = arith.index_cast %parallel_loop3A_522 : i32 to index
        %parallel_loop3A_525 = arith.index_cast %parallel_loop3A_523 : i32 to index
        %parallel_loop3A_526 = arith.index_cast %parallel_loop3A_433 : i32 to index
        %parallel_loop3A_527 = arith.index_cast %parallel_loop3A_451 : i32 to index
        %parallel_loop3A_528 = tpu.vector_load %arg7[%parallel_loop3A_524, %parallel_loop3A_525, %parallel_loop3A_526, %parallel_loop3A_527] {strides = array<i32>} : memref<2x16x16x128xf32, #tpu.memory_space<vmem>>, vector<16xf32>,
        tpu.vector_store %arg7[%parallel_loop3A_524, %parallel_loop3A_525, %parallel_loop3A_526, %parallel_loop3A_527], %parallel_loop3A_389 {strides = array<i32>} : memref<2x16x16x128xf32, #tpu.memory_space<vmem>>, vector<16xf32>,
        %parallel_loop3A_529 = arith.constant 0 : i32
        %parallel_loop3A_530 = arith.constant 11 : i32
        %parallel_loop3A_531 = arith.index_cast %parallel_loop3A_529 : i32 to index
        %parallel_loop3A_532 = arith.index_cast %parallel_loop3A_530 : i32 to index
        %parallel_loop3A_533 = arith.index_cast %parallel_loop3A_433 : i32 to index
        %parallel_loop3A_534 = arith.index_cast %parallel_loop3A_451 : i32 to index
        %parallel_loop3A_535 = tpu.vector_load %arg7[%parallel_loop3A_531, %parallel_loop3A_532, %parallel_loop3A_533, %parallel_loop3A_534] {strides = array<i32>} : memref<2x16x16x128xf32, #tpu.memory_space<vmem>>, vector<16xf32>,
        tpu.vector_store %arg7[%parallel_loop3A_531, %parallel_loop3A_532, %parallel_loop3A_533, %parallel_loop3A_534], %parallel_loop3A_393 {strides = array<i32>} : memref<2x16x16x128xf32, #tpu.memory_space<vmem>>, vector<16xf32>,
        %parallel_loop3A_536 = arith.constant 0 : i32
        %parallel_loop3A_537 = arith.constant 12 : i32
        %parallel_loop3A_538 = arith.index_cast %parallel_loop3A_536 : i32 to index
        %parallel_loop3A_539 = arith.index_cast %parallel_loop3A_537 : i32 to index
        %parallel_loop3A_540 = arith.index_cast %parallel_loop3A_433 : i32 to index
        %parallel_loop3A_541 = arith.index_cast %parallel_loop3A_451 : i32 to index
        %parallel_loop3A_542 = tpu.vector_load %arg7[%parallel_loop3A_538, %parallel_loop3A_539, %parallel_loop3A_540, %parallel_loop3A_541] {strides = array<i32>} : memref<2x16x16x128xf32, #tpu.memory_space<vmem>>, vector<16xf32>,
        tpu.vector_store %arg7[%parallel_loop3A_538, %parallel_loop3A_539, %parallel_loop3A_540, %parallel_loop3A_541], %parallel_loop3A_397 {strides = array<i32>} : memref<2x16x16x128xf32, #tpu.memory_space<vmem>>, vector<16xf32>,
        %parallel_loop3A_543 = arith.constant 0 : i32
        %parallel_loop3A_544 = arith.constant 13 : i32
        %parallel_loop3A_545 = arith.index_cast %parallel_loop3A_543 : i32 to index
        %parallel_loop3A_546 = arith.index_cast %parallel_loop3A_544 : i32 to index
        %parallel_loop3A_547 = arith.index_cast %parallel_loop3A_433 : i32 to index
        %parallel_loop3A_548 = arith.index_cast %parallel_loop3A_451 : i32 to index
        %parallel_loop3A_549 = tpu.vector_load %arg7[%parallel_loop3A_545, %parallel_loop3A_546, %parallel_loop3A_547, %parallel_loop3A_548] {strides = array<i32>} : memref<2x16x16x128xf32, #tpu.memory_space<vmem>>, vector<16xf32>,
        tpu.vector_store %arg7[%parallel_loop3A_545, %parallel_loop3A_546, %parallel_loop3A_547, %parallel_loop3A_548], %parallel_loop3A_401 {strides = array<i32>} : memref<2x16x16x128xf32, #tpu.memory_space<vmem>>, vector<16xf32>,
        %parallel_loop3A_550 = arith.constant 0 : i32
        %parallel_loop3A_551 = arith.constant 14 : i32
        %parallel_loop3A_552 = arith.index_cast %parallel_loop3A_550 : i32 to index
        %parallel_loop3A_553 = arith.index_cast %parallel_loop3A_551 : i32 to index
        %parallel_loop3A_554 = arith.index_cast %parallel_loop3A_433 : i32 to index
        %parallel_loop3A_555 = arith.index_cast %parallel_loop3A_451 : i32 to index
        %parallel_loop3A_556 = tpu.vector_load %arg7[%parallel_loop3A_552, %parallel_loop3A_553, %parallel_loop3A_554, %parallel_loop3A_555] {strides = array<i32>} : memref<2x16x16x128xf32, #tpu.memory_space<vmem>>, vector<16xf32>,
        tpu.vector_store %arg7[%parallel_loop3A_552, %parallel_loop3A_553, %parallel_loop3A_554, %parallel_loop3A_555], %parallel_loop3A_405 {strides = array<i32>} : memref<2x16x16x128xf32, #tpu.memory_space<vmem>>, vector<16xf32>,
        %parallel_loop3A_557 = arith.constant 0 : i32
        %parallel_loop3A_558 = arith.constant 15 : i32
        %parallel_loop3A_559 = arith.index_cast %parallel_loop3A_557 : i32 to index
        %parallel_loop3A_560 = arith.index_cast %parallel_loop3A_558 : i32 to index
        %parallel_loop3A_561 = arith.index_cast %parallel_loop3A_433 : i32 to index
        %parallel_loop3A_562 = arith.index_cast %parallel_loop3A_451 : i32 to index
        %parallel_loop3A_563 = tpu.vector_load %arg7[%parallel_loop3A_559, %parallel_loop3A_560, %parallel_loop3A_561, %parallel_loop3A_562] {strides = array<i32>} : memref<2x16x16x128xf32, #tpu.memory_space<vmem>>, vector<16xf32>,
        tpu.vector_store %arg7[%parallel_loop3A_559, %parallel_loop3A_560, %parallel_loop3A_561, %parallel_loop3A_562], %parallel_loop3A_409 {strides = array<i32>} : memref<2x16x16x128xf32, #tpu.memory_space<vmem>>, vector<16xf32>,
      } {sc.loop_unroll_factor = 2 : i64, sc.parallel_access}
      %mul3A_104 = arith.constant 4 : i32
      %mul3A_105 = arith.muli %add3A, %mul3A_104 : i32
      %jit3A = arith.constant 8 : i32
      %div3A = arith.divsi %add3A_88, %jit3A : i32
      %sign3A = arith.constant 0 : i32
      %sign3A_106 = arith.cmpi sgt, %add3A_88, %sign3A : i32
      %sign3A_107 = arith.extui %sign3A_106 : i1 to i32
      %sign3A_108 = arith.constant 0 : i32
      %sign3A_109 = arith.cmpi slt, %add3A_88, %sign3A_108 : i32
      %sign3A_110 = arith.extui %sign3A_109 : i1 to i32
      %sign3A_111 = arith.subi %sign3A_107, %sign3A_110 : i32
      %sign3A_112 = arith.constant 0 : i32
      %sign3A_113 = arith.cmpi sgt, %jit3A, %sign3A_112 : i32
      %sign3A_114 = arith.extui %sign3A_113 : i1 to i32
      %sign3A_115 = arith.constant 0 : i32
      %sign3A_116 = arith.cmpi slt, %jit3A, %sign3A_115 : i32
      %sign3A_117 = arith.extui %sign3A_116 : i1 to i32
      %sign3A_118 = arith.subi %sign3A_114, %sign3A_117 : i32
      %ne3A = arith.cmpi ne, %sign3A_111, %sign3A_118 : i32
      %rem3A = arith.remsi %add3A_88, %jit3A : i32
      %ne3A_119 = arith.constant 0 : i32
      %ne3A_120 = arith.cmpi ne, %rem3A, %ne3A_119 : i32
      %and3A = arith.andi %ne3A, %ne3A_120 : i1
      %sub3A = arith.constant 1 : i32
      %sub3A_121 = arith.subi %div3A, %sub3A : i32
      %select_n3A = arith.select %and3A, %sub3A_121, %div3A : i32
      %add3A_122 = arith.addi %mul3A_105, %select_n3A : i32
      %jit3A_123 = arith.constant 8 : i32
      %eq3A = arith.constant 0 : i32
      %eq3A_124 = arith.cmpi eq, %jit3A_123, %eq3A : i32
      %jit3A_125 = arith.constant 1 : i32
      %select_n3A_126 = arith.select %eq3A_124, %jit3A_125, %jit3A_123 : i32
      %rem3A_127 = arith.remsi %add3A_88, %select_n3A_126 : i32
      %ne3A_128 = arith.constant 0 : i32
      %ne3A_129 = arith.cmpi ne, %rem3A_127, %ne3A_128 : i32
      %lt3A = arith.constant 0 : i32
      %lt3A_130 = arith.cmpi slt, %rem3A_127, %lt3A : i32
      %lt3A_131 = arith.constant 0 : i32
      %lt3A_132 = arith.cmpi slt, %select_n3A_126, %lt3A_131 : i32
      %ne3A_133 = arith.xori %lt3A_130, %lt3A_132 : i1
      %and3A_134 = arith.andi %ne3A_133, %ne3A_129 : i1
      %add3A_135 = arith.addi %rem3A_127, %select_n3A_126 : i32
      %select_n3A_136 = arith.select %and3A_134, %add3A_135, %rem3A_127 : i32
      %mul3A_137 = arith.constant 16 : i32
      %mul3A_138 = arith.muli %select_n3A_136, %mul3A_137 : i32
      %jit3A_139 = arith.constant 8 : i32
      %div3A_140 = arith.divsi %add3A_122, %jit3A_139 : i32
      %sign3A_141 = arith.constant 0 : i32
      %sign3A_142 = arith.cmpi sgt, %add3A_122, %sign3A_141 : i32
      %sign3A_143 = arith.extui %sign3A_142 : i1 to i32
      %sign3A_144 = arith.constant 0 : i32
      %sign3A_145 = arith.cmpi slt, %add3A_122, %sign3A_144 : i32
      %sign3A_146 = arith.extui %sign3A_145 : i1 to i32
      %sign3A_147 = arith.subi %sign3A_143, %sign3A_146 : i32
      %sign3A_148 = arith.constant 0 : i32
      %sign3A_149 = arith.cmpi sgt, %jit3A_139, %sign3A_148 : i32
      %sign3A_150 = arith.extui %sign3A_149 : i1 to i32
      %sign3A_151 = arith.constant 0 : i32
      %sign3A_152 = arith.cmpi slt, %jit3A_139, %sign3A_151 : i32
      %sign3A_153 = arith.extui %sign3A_152 : i1 to i32
      %sign3A_154 = arith.subi %sign3A_150, %sign3A_153 : i32
      %ne3A_155 = arith.cmpi ne, %sign3A_147, %sign3A_154 : i32
      %rem3A_156 = arith.remsi %add3A_122, %jit3A_139 : i32
      %ne3A_157 = arith.constant 0 : i32
      %ne3A_158 = arith.cmpi ne, %rem3A_156, %ne3A_157 : i32
      %and3A_159 = arith.andi %ne3A_155, %ne3A_158 : i1
      %sub3A_160 = arith.constant 1 : i32
      %sub3A_161 = arith.subi %div3A_140, %sub3A_160 : i32
      %select_n3A_162 = arith.select %and3A_159, %sub3A_161, %div3A_140 : i32
      %jit3A_163 = arith.constant 8 : i32
      %eq3A_164 = arith.constant 0 : i32
      %eq3A_165 = arith.cmpi eq, %jit3A_163, %eq3A_164 : i32
      %jit3A_166 = arith.constant 1 : i32
      %select_n3A_167 = arith.select %eq3A_165, %jit3A_166, %jit3A_163 : i32
      %rem3A_168 = arith.remsi %add3A_122, %select_n3A_167 : i32
      %ne3A_169 = arith.constant 0 : i32
      %ne3A_170 = arith.cmpi ne, %rem3A_168, %ne3A_169 : i32
      %lt3A_171 = arith.constant 0 : i32
      %lt3A_172 = arith.cmpi slt, %rem3A_168, %lt3A_171 : i32
      %lt3A_173 = arith.constant 0 : i32
      %lt3A_174 = arith.cmpi slt, %select_n3A_167, %lt3A_173 : i32
      %ne3A_175 = arith.xori %lt3A_172, %lt3A_174 : i1
      %and3A_176 = arith.andi %ne3A_175, %ne3A_170 : i1
      %add3A_177 = arith.addi %rem3A_168, %select_n3A_167 : i32
      %select_n3A_178 = arith.select %and3A_176, %add3A_177, %rem3A_168 : i32
      %dma_start3A_179 = arith.constant 0 : i32
      %dma_start3A_180 = arith.constant 0 : i32
      %dma_start3A_181 = arith.constant 0 : i32
      %dma_start3A_182 = arith.constant 0 : i32
      %dma_start3A_183 = tpu.memref_slice %arg7[%dma_start3A_179, %dma_start3A_180, %dma_start3A_181, %dma_start3A_182] : memref<2x16x16x128xf32, #tpu.memory_space<vmem>> -> memref<1x16x16x128xf32, #tpu.memory_space<vmem>>
      %dma_start3A_184 = tpu.memref_squeeze %dma_start3A_183 : memref<1x16x16x128xf32, #tpu.memory_space<vmem>> -> memref<16x16x128xf32, #tpu.memory_space<vmem>>
      %dma_start3A_185 = arith.constant 0 : i32
      %dma_start3A_186 = arith.constant 0 : i32
      %dma_start3A_187 = tpu.memref_slice %arg4[%select_n3A_162, %select_n3A_178, %dma_start3A_185, %mul3A_138, %dma_start3A_186] : memref<16x8x16x128x128xf32, #tpu.memory_space<hbm>> -> memref<1x1x16x16x128xf32, #tpu.memory_space<hbm>>
      %dma_start3A_188 = tpu.memref_squeeze %dma_start3A_187 : memref<1x1x16x16x128xf32, #tpu.memory_space<hbm>> -> memref<16x16x128xf32, #tpu.memory_space<hbm>>
      %dma_start3A_189 = arith.constant 0 : i32
      %dma_start3A_190 = arith.constant 0 : i32
      %dma_start3A_191 = tpu.memref_slice %arg4[%select_n3A_162, %select_n3A_178, %dma_start3A_189, %mul3A_138, %dma_start3A_190] : memref<16x8x16x128x128xf32, #tpu.memory_space<hbm>> -> memref<1x1x16x16x128xf32, #tpu.memory_space<hbm>>
      %dma_start3A_192 = tpu.memref_squeeze %dma_start3A_191 : memref<1x1x16x16x128xf32, #tpu.memory_space<hbm>> -> memref<16x16x128xf32, #tpu.memory_space<hbm>>
      %dma_start3A_193 = arith.constant 0 : i32
      %dma_start3A_194 = arith.constant 0 : i32
      %dma_start3A_195 = arith.constant 0 : i32
      %dma_start3A_196 = tpu.memref_slice %arg7[%dma_start3A_179, %dma_start3A_193, %dma_start3A_194, %dma_start3A_195] : memref<2x16x16x128xf32, #tpu.memory_space<vmem>> -> memref<1x16x16x128xf32, #tpu.memory_space<vmem>>
      %dma_start3A_197 = tpu.memref_squeeze %dma_start3A_196 : memref<1x16x16x128xf32, #tpu.memory_space<vmem>> -> memref<16x16x128xf32, #tpu.memory_space<vmem>>
      tpu.enqueue_dma source(%dma_start3A_197 : memref<16x16x128xf32, #tpu.memory_space<vmem>>) target(%dma_start3A_192 : memref<16x16x128xf32, #tpu.memory_space<hbm>>) target_semaphore(%arg10 : memref<!tpu.dma_semaphore, #tpu.memory_space<semaphore_mem>>)
      %add3A_198 = arith.constant 2 : i32
      %add3A_199 = arith.addi %add3A_88, %add3A_198 : i32
      %lt3A_200 = arith.constant 32 : i32
      %lt3A_201 = arith.cmpi slt, %add3A_199, %lt3A_200 : i32
      %convert_element_type3A_202 = arith.extui %lt3A_201 : i1 to i32
      %cond3A_203 = arith.constant 0 : i32
      %cond3A_204 = arith.cmpi ne, %convert_element_type3A_202, %cond3A_203 : i32
      scf.if %cond3A_204 {
        %add3A_339 = arith.constant 2 : i32
        %add3A_340 = arith.addi %add3A_88, %add3A_339 : i32
        %mul3A_341 = arith.constant 4 : i32
        %mul3A_342 = arith.muli %add3A, %mul3A_341 : i32
        %jit3A_343 = arith.constant 8 : i32
        %div3A_344 = arith.divsi %add3A_340, %jit3A_343 : i32
        %sign3A_345 = arith.constant 0 : i32
        %sign3A_346 = arith.cmpi sgt, %add3A_340, %sign3A_345 : i32
        %sign3A_347 = arith.extui %sign3A_346 : i1 to i32
        %sign3A_348 = arith.constant 0 : i32
        %sign3A_349 = arith.cmpi slt, %add3A_340, %sign3A_348 : i32
        %sign3A_350 = arith.extui %sign3A_349 : i1 to i32
        %sign3A_351 = arith.subi %sign3A_347, %sign3A_350 : i32
        %sign3A_352 = arith.constant 0 : i32
        %sign3A_353 = arith.cmpi sgt, %jit3A_343, %sign3A_352 : i32
        %sign3A_354 = arith.extui %sign3A_353 : i1 to i32
        %sign3A_355 = arith.constant 0 : i32
        %sign3A_356 = arith.cmpi slt, %jit3A_343, %sign3A_355 : i32
        %sign3A_357 = arith.extui %sign3A_356 : i1 to i32
        %sign3A_358 = arith.subi %sign3A_354, %sign3A_357 : i32
        %ne3A_359 = arith.cmpi ne, %sign3A_351, %sign3A_358 : i32
        %rem3A_360 = arith.remsi %add3A_340, %jit3A_343 : i32
        %ne3A_361 = arith.constant 0 : i32
        %ne3A_362 = arith.cmpi ne, %rem3A_360, %ne3A_361 : i32
        %and3A_363 = arith.andi %ne3A_359, %ne3A_362 : i1
        %sub3A_364 = arith.constant 1 : i32
        %sub3A_365 = arith.subi %div3A_344, %sub3A_364 : i32
        %select_n3A_366 = arith.select %and3A_363, %sub3A_365, %div3A_344 : i32
        %add3A_367 = arith.addi %mul3A_342, %select_n3A_366 : i32
        %mul3A_368 = arith.constant 16384 : i32
        %mul3A_369 = arith.muli %add3A_367, %mul3A_368 : i32
        %jit3A_370 = arith.constant 8 : i32
        %eq3A_371 = arith.constant 0 : i32
        %eq3A_372 = arith.cmpi eq, %jit3A_370, %eq3A_371 : i32
        %jit3A_373 = arith.constant 1 : i32
        %select_n3A_374 = arith.select %eq3A_372, %jit3A_373, %jit3A_370 : i32
        %rem3A_375 = arith.remsi %add3A_340, %select_n3A_374 : i32
        %ne3A_376 = arith.constant 0 : i32
        %ne3A_377 = arith.cmpi ne, %rem3A_375, %ne3A_376 : i32
        %lt3A_378 = arith.constant 0 : i32
        %lt3A_379 = arith.cmpi slt, %rem3A_375, %lt3A_378 : i32
        %lt3A_380 = arith.constant 0 : i32
        %lt3A_381 = arith.cmpi slt, %select_n3A_374, %lt3A_380 : i32
        %ne3A_382 = arith.xori %lt3A_379, %lt3A_381 : i1
        %and3A_383 = arith.andi %ne3A_382, %ne3A_377 : i1
        %add3A_384 = arith.addi %rem3A_375, %select_n3A_374 : i32
        %select_n3A_385 = arith.select %and3A_383, %add3A_384, %rem3A_375 : i32
        %mul3A_386 = arith.constant 2048 : i32
        %mul3A_387 = arith.muli %select_n3A_385, %mul3A_386 : i32
        %add3A_388 = arith.addi %mul3A_369, %mul3A_387 : i32
        %dma_start3A_389 = arith.constant 0 : i32
        %dma_start3A_390 = arith.constant 0 : i32
        %dma_start3A_391 = tpu.memref_slice %arg6[%dma_start3A_389, %dma_start3A_390] : memref<2x2048xi32, #tpu.memory_space<vmem>> -> memref<1x2048xi32, #tpu.memory_space<vmem>>
        %dma_start3A_392 = tpu.memref_squeeze %dma_start3A_391 : memref<1x2048xi32, #tpu.memory_space<vmem>> -> memref<2048xi32, #tpu.memory_space<vmem>>
        %dma_start3A_393 = tpu.memref_slice %arg2[%add3A_388] : memref<2097152xi32, #tpu.memory_space<hbm>> -> memref<2048xi32, #tpu.memory_space<hbm>>
        %dma_start3A_394 = arith.constant 0 : i32
        %dma_start3A_395 = tpu.memref_slice %arg6[%dma_start3A_389, %dma_start3A_394] : memref<2x2048xi32, #tpu.memory_space<vmem>> -> memref<1x2048xi32, #tpu.memory_space<vmem>>
        %dma_start3A_396 = tpu.memref_squeeze %dma_start3A_395 : memref<1x2048xi32, #tpu.memory_space<vmem>> -> memref<2048xi32, #tpu.memory_space<vmem>>
        %dma_start3A_397 = tpu.memref_slice %arg2[%add3A_388] : memref<2097152xi32, #tpu.memory_space<hbm>> -> memref<2048xi32, #tpu.memory_space<hbm>>
        tpu.enqueue_dma source(%dma_start3A_397 : memref<2048xi32, #tpu.memory_space<hbm>>) target(%dma_start3A_396 : memref<2048xi32, #tpu.memory_space<vmem>>) target_semaphore(%arg8 : memref<!tpu.dma_semaphore, #tpu.memory_space<semaphore_mem>>)
      } else {
      }
      %mul3A_205 = arith.constant 2 : i32
      %mul3A_206 = arith.muli %scan3A_84, %mul3A_205 : i32
      %add3A_207 = arith.constant 1 : i32
      %add3A_208 = arith.addi %mul3A_206, %add3A_207 : i32
      %dma_wait3A_209 = arith.constant 1 : i32
      %dma_wait3A_210 = arith.constant 0 : i32
      %dma_wait3A_211 = tpu.memref_slice %arg6[%dma_wait3A_209, %dma_wait3A_210] : memref<2x2048xi32, #tpu.memory_space<vmem>> -> memref<1x2048xi32, #tpu.memory_space<vmem>>
      %dma_wait3A_212 = tpu.memref_squeeze %dma_wait3A_211 : memref<1x2048xi32, #tpu.memory_space<vmem>> -> memref<2048xi32, #tpu.memory_space<vmem>>
      %dma_wait3A_213 = arith.constant 0 : i32
      %dma_wait3A_214 = tpu.memref_slice %arg2[%dma_wait3A_213] : memref<2097152xi32, #tpu.memory_space<hbm>> -> memref<2048xi32, #tpu.memory_space<hbm>>
      %dma_wait3A_215 = arith.constant 0 : i32
      %dma_wait3A_216 = tpu.memref_slice %arg6[%dma_wait3A_209, %dma_wait3A_215] : memref<2x2048xi32, #tpu.memory_space<vmem>> -> memref<1x2048xi32, #tpu.memory_space<vmem>>
      %dma_wait3A_217 = tpu.memref_squeeze %dma_wait3A_216 : memref<1x2048xi32, #tpu.memory_space<vmem>> -> memref<2048xi32, #tpu.memory_space<vmem>>
      %dma_wait3A_218 = arith.constant 0 : i32
      %dma_wait3A_219 = tpu.memref_slice %arg2[%dma_wait3A_218] : memref<2097152xi32, #tpu.memory_space<hbm>> -> memref<2048xi32, #tpu.memory_space<hbm>>
      tpu.wait_dma2 semaphore(%arg9 : memref<!tpu.dma_semaphore, #tpu.memory_space<semaphore_mem>>) src(%dma_wait3A_219 : memref<2048xi32, #tpu.memory_space<hbm>>) dst(%dma_wait3A_217 : memref<2048xi32, #tpu.memory_space<vmem>>)
      %gt3A_220 = arith.constant 0 : i32
      %gt3A_221 = arith.cmpi sgt, %scan3A_84, %gt3A_220 : i32
      %convert_element_type3A_222 = arith.extui %gt3A_221 : i1 to i32
      %cond3A_223 = arith.constant 0 : i32
      %cond3A_224 = arith.cmpi ne, %convert_element_type3A_222, %cond3A_223 : i32
      scf.if %cond3A_224 {
        %dma_wait3A_339 = arith.constant 1 : i32
        %dma_wait3A_340 = arith.constant 0 : i32
        %dma_wait3A_341 = arith.constant 0 : i32
        %dma_wait3A_342 = arith.constant 0 : i32
        %dma_wait3A_343 = arith.constant 0 : i32
        %dma_wait3A_344 = arith.constant 0 : i32
        %dma_wait3A_345 = tpu.memref_slice %arg7[%dma_wait3A_339, %dma_wait3A_342, %dma_wait3A_343, %dma_wait3A_344] : memref<2x16x16x128xf32, #tpu.memory_space<vmem>> -> memref<1x16x16x128xf32, #tpu.memory_space<vmem>>
        %dma_wait3A_346 = tpu.memref_squeeze %dma_wait3A_345 : memref<1x16x16x128xf32, #tpu.memory_space<vmem>> -> memref<16x16x128xf32, #tpu.memory_space<vmem>>
        %dma_wait3A_347 = arith.constant 0 : i32
        %dma_wait3A_348 = arith.constant 0 : i32
        %dma_wait3A_349 = arith.constant 0 : i32
        %dma_wait3A_350 = tpu.memref_slice %arg4[%dma_wait3A_340, %dma_wait3A_341, %dma_wait3A_347, %dma_wait3A_348, %dma_wait3A_349] : memref<16x8x16x128x128xf32, #tpu.memory_space<hbm>> -> memref<1x1x16x16x128xf32, #tpu.memory_space<hbm>>
        %dma_wait3A_351 = tpu.memref_squeeze %dma_wait3A_350 : memref<1x1x16x16x128xf32, #tpu.memory_space<hbm>> -> memref<16x16x128xf32, #tpu.memory_space<hbm>>
        %dma_wait3A_352 = arith.constant 0 : i32
        %dma_wait3A_353 = arith.constant 0 : i32
        %dma_wait3A_354 = arith.constant 0 : i32
        %dma_wait3A_355 = tpu.memref_slice %arg4[%dma_wait3A_340, %dma_wait3A_341, %dma_wait3A_352, %dma_wait3A_353, %dma_wait3A_354] : memref<16x8x16x128x128xf32, #tpu.memory_space<hbm>> -> memref<1x1x16x16x128xf32, #tpu.memory_space<hbm>>
        %dma_wait3A_356 = tpu.memref_squeeze %dma_wait3A_355 : memref<1x1x16x16x128xf32, #tpu.memory_space<hbm>> -> memref<16x16x128xf32, #tpu.memory_space<hbm>>
        %dma_wait3A_357 = arith.constant 0 : i32
        %dma_wait3A_358 = arith.constant 0 : i32
        %dma_wait3A_359 = arith.constant 0 : i32
        %dma_wait3A_360 = tpu.memref_slice %arg7[%dma_wait3A_339, %dma_wait3A_357, %dma_wait3A_358, %dma_wait3A_359] : memref<2x16x16x128xf32, #tpu.memory_space<vmem>> -> memref<1x16x16x128xf32, #tpu.memory_space<vmem>>
        %dma_wait3A_361 = tpu.memref_squeeze %dma_wait3A_360 : memref<1x16x16x128xf32, #tpu.memory_space<vmem>> -> memref<16x16x128xf32, #tpu.memory_space<vmem>>
        tpu.wait_dma2 semaphore(%arg11 : memref<!tpu.dma_semaphore, #tpu.memory_space<semaphore_mem>>) src(%dma_wait3A_361 : memref<16x16x128xf32, #tpu.memory_space<vmem>>) dst(%dma_wait3A_356 : memref<16x16x128xf32, #tpu.memory_space<hbm>>)
      } else {
      }
      %parallel_loop3A_225 = arith.constant 0 : i32
      %parallel_loop3A_226 = arith.constant 128 : i32
      %parallel_loop3A_227 = arith.constant 1 : i32
      scf.for %parallel_loop3A_339 = %parallel_loop3A_225 to %parallel_loop3A_226 step %parallel_loop3A_227  : i32 {
        %parallel_loop3A_340 = arith.constant 16 : i32
        %parallel_loop3A_341 = arith.muli %parallel_loop3A_339, %parallel_loop3A_340 : i32
        %parallel_loop3A_342 = arith.constant 1 : i32
        %parallel_loop3A_343 = arith.index_cast %parallel_loop3A_342 : i32 to index
        %parallel_loop3A_344 = arith.index_cast %parallel_loop3A_341 : i32 to index
        %parallel_loop3A_345 = tpu.vector_load %arg6[%parallel_loop3A_343, %parallel_loop3A_344] {strides = array<i32>} : memref<2x2048xi32, #tpu.memory_space<vmem>>, vector<16xi32>,
        %parallel_loop3A_346 = arith.constant 0 : i32
        %parallel_loop3A_347 = vector.broadcast %parallel_loop3A_346 : i32 to vector<16xi32>
        %parallel_loop3A_348 = arith.addi %parallel_loop3A_345, %parallel_loop3A_347 : vector<16xi32>
        %parallel_loop3A_349 = tpu.vector_load_idx %arg5[%parallel_loop3A_348] : memref<16128xf32, #tpu.memory_space<vmem>>[vector<16xi32>], vector<16xf32>,
        %parallel_loop3A_350 = arith.constant 1008 : i32
        %parallel_loop3A_351 = vector.broadcast %parallel_loop3A_350 : i32 to vector<16xi32>
        %parallel_loop3A_352 = arith.addi %parallel_loop3A_345, %parallel_loop3A_351 : vector<16xi32>
        %parallel_loop3A_353 = tpu.vector_load_idx %arg5[%parallel_loop3A_352] : memref<16128xf32, #tpu.memory_space<vmem>>[vector<16xi32>], vector<16xf32>,
        %parallel_loop3A_354 = arith.constant 2016 : i32
        %parallel_loop3A_355 = vector.broadcast %parallel_loop3A_354 : i32 to vector<16xi32>
        %parallel_loop3A_356 = arith.addi %parallel_loop3A_345, %parallel_loop3A_355 : vector<16xi32>
        %parallel_loop3A_357 = tpu.vector_load_idx %arg5[%parallel_loop3A_356] : memref<16128xf32, #tpu.memory_space<vmem>>[vector<16xi32>], vector<16xf32>,
        %parallel_loop3A_358 = arith.constant 3024 : i32
        %parallel_loop3A_359 = vector.broadcast %parallel_loop3A_358 : i32 to vector<16xi32>
        %parallel_loop3A_360 = arith.addi %parallel_loop3A_345, %parallel_loop3A_359 : vector<16xi32>
        %parallel_loop3A_361 = tpu.vector_load_idx %arg5[%parallel_loop3A_360] : memref<16128xf32, #tpu.memory_space<vmem>>[vector<16xi32>], vector<16xf32>,
        %parallel_loop3A_362 = arith.constant 4032 : i32
        %parallel_loop3A_363 = vector.broadcast %parallel_loop3A_362 : i32 to vector<16xi32>
        %parallel_loop3A_364 = arith.addi %parallel_loop3A_345, %parallel_loop3A_363 : vector<16xi32>
        %parallel_loop3A_365 = tpu.vector_load_idx %arg5[%parallel_loop3A_364] : memref<16128xf32, #tpu.memory_space<vmem>>[vector<16xi32>], vector<16xf32>,
        %parallel_loop3A_366 = arith.constant 5040 : i32
        %parallel_loop3A_367 = vector.broadcast %parallel_loop3A_366 : i32 to vector<16xi32>
        %parallel_loop3A_368 = arith.addi %parallel_loop3A_345, %parallel_loop3A_367 : vector<16xi32>
        %parallel_loop3A_369 = tpu.vector_load_idx %arg5[%parallel_loop3A_368] : memref<16128xf32, #tpu.memory_space<vmem>>[vector<16xi32>], vector<16xf32>,
        %parallel_loop3A_370 = arith.constant 6048 : i32
        %parallel_loop3A_371 = vector.broadcast %parallel_loop3A_370 : i32 to vector<16xi32>
        %parallel_loop3A_372 = arith.addi %parallel_loop3A_345, %parallel_loop3A_371 : vector<16xi32>
        %parallel_loop3A_373 = tpu.vector_load_idx %arg5[%parallel_loop3A_372] : memref<16128xf32, #tpu.memory_space<vmem>>[vector<16xi32>], vector<16xf32>,
        %parallel_loop3A_374 = arith.constant 7056 : i32
        %parallel_loop3A_375 = vector.broadcast %parallel_loop3A_374 : i32 to vector<16xi32>
        %parallel_loop3A_376 = arith.addi %parallel_loop3A_345, %parallel_loop3A_375 : vector<16xi32>
        %parallel_loop3A_377 = tpu.vector_load_idx %arg5[%parallel_loop3A_376] : memref<16128xf32, #tpu.memory_space<vmem>>[vector<16xi32>], vector<16xf32>,
        %parallel_loop3A_378 = arith.constant 8064 : i32
        %parallel_loop3A_379 = vector.broadcast %parallel_loop3A_378 : i32 to vector<16xi32>
        %parallel_loop3A_380 = arith.addi %parallel_loop3A_345, %parallel_loop3A_379 : vector<16xi32>
        %parallel_loop3A_381 = tpu.vector_load_idx %arg5[%parallel_loop3A_380] : memref<16128xf32, #tpu.memory_space<vmem>>[vector<16xi32>], vector<16xf32>,
        %parallel_loop3A_382 = arith.constant 9072 : i32
        %parallel_loop3A_383 = vector.broadcast %parallel_loop3A_382 : i32 to vector<16xi32>
        %parallel_loop3A_384 = arith.addi %parallel_loop3A_345, %parallel_loop3A_383 : vector<16xi32>
        %parallel_loop3A_385 = tpu.vector_load_idx %arg5[%parallel_loop3A_384] : memref<16128xf32, #tpu.memory_space<vmem>>[vector<16xi32>], vector<16xf32>,
        %parallel_loop3A_386 = arith.constant 10080 : i32
        %parallel_loop3A_387 = vector.broadcast %parallel_loop3A_386 : i32 to vector<16xi32>
        %parallel_loop3A_388 = arith.addi %parallel_loop3A_345, %parallel_loop3A_387 : vector<16xi32>
        %parallel_loop3A_389 = tpu.vector_load_idx %arg5[%parallel_loop3A_388] : memref<16128xf32, #tpu.memory_space<vmem>>[vector<16xi32>], vector<16xf32>,
        %parallel_loop3A_390 = arith.constant 11088 : i32
        %parallel_loop3A_391 = vector.broadcast %parallel_loop3A_390 : i32 to vector<16xi32>
        %parallel_loop3A_392 = arith.addi %parallel_loop3A_345, %parallel_loop3A_391 : vector<16xi32>
        %parallel_loop3A_393 = tpu.vector_load_idx %arg5[%parallel_loop3A_392] : memref<16128xf32, #tpu.memory_space<vmem>>[vector<16xi32>], vector<16xf32>,
        %parallel_loop3A_394 = arith.constant 12096 : i32
        %parallel_loop3A_395 = vector.broadcast %parallel_loop3A_394 : i32 to vector<16xi32>
        %parallel_loop3A_396 = arith.addi %parallel_loop3A_345, %parallel_loop3A_395 : vector<16xi32>
        %parallel_loop3A_397 = tpu.vector_load_idx %arg5[%parallel_loop3A_396] : memref<16128xf32, #tpu.memory_space<vmem>>[vector<16xi32>], vector<16xf32>,
        %parallel_loop3A_398 = arith.constant 13104 : i32
        %parallel_loop3A_399 = vector.broadcast %parallel_loop3A_398 : i32 to vector<16xi32>
        %parallel_loop3A_400 = arith.addi %parallel_loop3A_345, %parallel_loop3A_399 : vector<16xi32>
        %parallel_loop3A_401 = tpu.vector_load_idx %arg5[%parallel_loop3A_400] : memref<16128xf32, #tpu.memory_space<vmem>>[vector<16xi32>], vector<16xf32>,
        %parallel_loop3A_402 = arith.constant 14112 : i32
        %parallel_loop3A_403 = vector.broadcast %parallel_loop3A_402 : i32 to vector<16xi32>
        %parallel_loop3A_404 = arith.addi %parallel_loop3A_345, %parallel_loop3A_403 : vector<16xi32>
        %parallel_loop3A_405 = tpu.vector_load_idx %arg5[%parallel_loop3A_404] : memref<16128xf32, #tpu.memory_space<vmem>>[vector<16xi32>], vector<16xf32>,
        %parallel_loop3A_406 = arith.constant 15120 : i32
        %parallel_loop3A_407 = vector.broadcast %parallel_loop3A_406 : i32 to vector<16xi32>
        %parallel_loop3A_408 = arith.addi %parallel_loop3A_345, %parallel_loop3A_407 : vector<16xi32>
        %parallel_loop3A_409 = tpu.vector_load_idx %arg5[%parallel_loop3A_408] : memref<16128xf32, #tpu.memory_space<vmem>>[vector<16xi32>], vector<16xf32>,
        %parallel_loop3A_410 = arith.constant 8 : i32
        %parallel_loop3A_411 = arith.divsi %parallel_loop3A_339, %parallel_loop3A_410 : i32
        %parallel_loop3A_412 = arith.constant 0 : i32
        %parallel_loop3A_413 = arith.cmpi sgt, %parallel_loop3A_339, %parallel_loop3A_412 : i32
        %parallel_loop3A_414 = arith.extui %parallel_loop3A_413 : i1 to i32
        %parallel_loop3A_415 = arith.constant 0 : i32
        %parallel_loop3A_416 = arith.cmpi slt, %parallel_loop3A_339, %parallel_loop3A_415 : i32
        %parallel_loop3A_417 = arith.extui %parallel_loop3A_416 : i1 to i32
        %parallel_loop3A_418 = arith.subi %parallel_loop3A_414, %parallel_loop3A_417 : i32
        %parallel_loop3A_419 = arith.constant 0 : i32
        %parallel_loop3A_420 = arith.cmpi sgt, %parallel_loop3A_410, %parallel_loop3A_419 : i32
        %parallel_loop3A_421 = arith.extui %parallel_loop3A_420 : i1 to i32
        %parallel_loop3A_422 = arith.constant 0 : i32
        %parallel_loop3A_423 = arith.cmpi slt, %parallel_loop3A_410, %parallel_loop3A_422 : i32
        %parallel_loop3A_424 = arith.extui %parallel_loop3A_423 : i1 to i32
        %parallel_loop3A_425 = arith.subi %parallel_loop3A_421, %parallel_loop3A_424 : i32
        %parallel_loop3A_426 = arith.cmpi ne, %parallel_loop3A_418, %parallel_loop3A_425 : i32
        %parallel_loop3A_427 = arith.remsi %parallel_loop3A_339, %parallel_loop3A_410 : i32
        %parallel_loop3A_428 = arith.constant 0 : i32
        %parallel_loop3A_429 = arith.cmpi ne, %parallel_loop3A_427, %parallel_loop3A_428 : i32
        %parallel_loop3A_430 = arith.andi %parallel_loop3A_426, %parallel_loop3A_429 : i1
        %parallel_loop3A_431 = arith.constant 1 : i32
        %parallel_loop3A_432 = arith.subi %parallel_loop3A_411, %parallel_loop3A_431 : i32
        %parallel_loop3A_433 = arith.select %parallel_loop3A_430, %parallel_loop3A_432, %parallel_loop3A_411 : i32
        %parallel_loop3A_434 = arith.constant 8 : i32
        %parallel_loop3A_435 = arith.constant 0 : i32
        %parallel_loop3A_436 = arith.cmpi eq, %parallel_loop3A_434, %parallel_loop3A_435 : i32
        %parallel_loop3A_437 = arith.constant 1 : i32
        %parallel_loop3A_438 = arith.select %parallel_loop3A_436, %parallel_loop3A_437, %parallel_loop3A_434 : i32
        %parallel_loop3A_439 = arith.remsi %parallel_loop3A_339, %parallel_loop3A_438 : i32
        %parallel_loop3A_440 = arith.constant 0 : i32
        %parallel_loop3A_441 = arith.cmpi ne, %parallel_loop3A_439, %parallel_loop3A_440 : i32
        %parallel_loop3A_442 = arith.constant 0 : i32
        %parallel_loop3A_443 = arith.cmpi slt, %parallel_loop3A_439, %parallel_loop3A_442 : i32
        %parallel_loop3A_444 = arith.constant 0 : i32
        %parallel_loop3A_445 = arith.cmpi slt, %parallel_loop3A_438, %parallel_loop3A_444 : i32
        %parallel_loop3A_446 = arith.xori %parallel_loop3A_443, %parallel_loop3A_445 : i1
        %parallel_loop3A_447 = arith.andi %parallel_loop3A_446, %parallel_loop3A_441 : i1
        %parallel_loop3A_448 = arith.addi %parallel_loop3A_439, %parallel_loop3A_438 : i32
        %parallel_loop3A_449 = arith.select %parallel_loop3A_447, %parallel_loop3A_448, %parallel_loop3A_439 : i32
        %parallel_loop3A_450 = arith.constant 16 : i32
        %parallel_loop3A_451 = arith.muli %parallel_loop3A_449, %parallel_loop3A_450 : i32
        %parallel_loop3A_452 = arith.constant 1 : i32
        %parallel_loop3A_453 = arith.constant 0 : i32
        %parallel_loop3A_454 = arith.index_cast %parallel_loop3A_452 : i32 to index
        %parallel_loop3A_455 = arith.index_cast %parallel_loop3A_453 : i32 to index
        %parallel_loop3A_456 = arith.index_cast %parallel_loop3A_433 : i32 to index
        %parallel_loop3A_457 = arith.index_cast %parallel_loop3A_451 : i32 to index
        %parallel_loop3A_458 = tpu.vector_load %arg7[%parallel_loop3A_454, %parallel_loop3A_455, %parallel_loop3A_456, %parallel_loop3A_457] {strides = array<i32>} : memref<2x16x16x128xf32, #tpu.memory_space<vmem>>, vector<16xf32>,
        tpu.vector_store %arg7[%parallel_loop3A_454, %parallel_loop3A_455, %parallel_loop3A_456, %parallel_loop3A_457], %parallel_loop3A_349 {strides = array<i32>} : memref<2x16x16x128xf32, #tpu.memory_space<vmem>>, vector<16xf32>,
        %parallel_loop3A_459 = arith.constant 1 : i32
        %parallel_loop3A_460 = arith.constant 1 : i32
        %parallel_loop3A_461 = arith.index_cast %parallel_loop3A_459 : i32 to index
        %parallel_loop3A_462 = arith.index_cast %parallel_loop3A_460 : i32 to index
        %parallel_loop3A_463 = arith.index_cast %parallel_loop3A_433 : i32 to index
        %parallel_loop3A_464 = arith.index_cast %parallel_loop3A_451 : i32 to index
        %parallel_loop3A_465 = tpu.vector_load %arg7[%parallel_loop3A_461, %parallel_loop3A_462, %parallel_loop3A_463, %parallel_loop3A_464] {strides = array<i32>} : memref<2x16x16x128xf32, #tpu.memory_space<vmem>>, vector<16xf32>,
        tpu.vector_store %arg7[%parallel_loop3A_461, %parallel_loop3A_462, %parallel_loop3A_463, %parallel_loop3A_464], %parallel_loop3A_353 {strides = array<i32>} : memref<2x16x16x128xf32, #tpu.memory_space<vmem>>, vector<16xf32>,
        %parallel_loop3A_466 = arith.constant 1 : i32
        %parallel_loop3A_467 = arith.constant 2 : i32
        %parallel_loop3A_468 = arith.index_cast %parallel_loop3A_466 : i32 to index
        %parallel_loop3A_469 = arith.index_cast %parallel_loop3A_467 : i32 to index
        %parallel_loop3A_470 = arith.index_cast %parallel_loop3A_433 : i32 to index
        %parallel_loop3A_471 = arith.index_cast %parallel_loop3A_451 : i32 to index
        %parallel_loop3A_472 = tpu.vector_load %arg7[%parallel_loop3A_468, %parallel_loop3A_469, %parallel_loop3A_470, %parallel_loop3A_471] {strides = array<i32>} : memref<2x16x16x128xf32, #tpu.memory_space<vmem>>, vector<16xf32>,
        tpu.vector_store %arg7[%parallel_loop3A_468, %parallel_loop3A_469, %parallel_loop3A_470, %parallel_loop3A_471], %parallel_loop3A_357 {strides = array<i32>} : memref<2x16x16x128xf32, #tpu.memory_space<vmem>>, vector<16xf32>,
        %parallel_loop3A_473 = arith.constant 1 : i32
        %parallel_loop3A_474 = arith.constant 3 : i32
        %parallel_loop3A_475 = arith.index_cast %parallel_loop3A_473 : i32 to index
        %parallel_loop3A_476 = arith.index_cast %parallel_loop3A_474 : i32 to index
        %parallel_loop3A_477 = arith.index_cast %parallel_loop3A_433 : i32 to index
        %parallel_loop3A_478 = arith.index_cast %parallel_loop3A_451 : i32 to index
        %parallel_loop3A_479 = tpu.vector_load %arg7[%parallel_loop3A_475, %parallel_loop3A_476, %parallel_loop3A_477, %parallel_loop3A_478] {strides = array<i32>} : memref<2x16x16x128xf32, #tpu.memory_space<vmem>>, vector<16xf32>,
        tpu.vector_store %arg7[%parallel_loop3A_475, %parallel_loop3A_476, %parallel_loop3A_477, %parallel_loop3A_478], %parallel_loop3A_361 {strides = array<i32>} : memref<2x16x16x128xf32, #tpu.memory_space<vmem>>, vector<16xf32>,
        %parallel_loop3A_480 = arith.constant 1 : i32
        %parallel_loop3A_481 = arith.constant 4 : i32
        %parallel_loop3A_482 = arith.index_cast %parallel_loop3A_480 : i32 to index
        %parallel_loop3A_483 = arith.index_cast %parallel_loop3A_481 : i32 to index
        %parallel_loop3A_484 = arith.index_cast %parallel_loop3A_433 : i32 to index
        %parallel_loop3A_485 = arith.index_cast %parallel_loop3A_451 : i32 to index
        %parallel_loop3A_486 = tpu.vector_load %arg7[%parallel_loop3A_482, %parallel_loop3A_483, %parallel_loop3A_484, %parallel_loop3A_485] {strides = array<i32>} : memref<2x16x16x128xf32, #tpu.memory_space<vmem>>, vector<16xf32>,
        tpu.vector_store %arg7[%parallel_loop3A_482, %parallel_loop3A_483, %parallel_loop3A_484, %parallel_loop3A_485], %parallel_loop3A_365 {strides = array<i32>} : memref<2x16x16x128xf32, #tpu.memory_space<vmem>>, vector<16xf32>,
        %parallel_loop3A_487 = arith.constant 1 : i32
        %parallel_loop3A_488 = arith.constant 5 : i32
        %parallel_loop3A_489 = arith.index_cast %parallel_loop3A_487 : i32 to index
        %parallel_loop3A_490 = arith.index_cast %parallel_loop3A_488 : i32 to index
        %parallel_loop3A_491 = arith.index_cast %parallel_loop3A_433 : i32 to index
        %parallel_loop3A_492 = arith.index_cast %parallel_loop3A_451 : i32 to index
        %parallel_loop3A_493 = tpu.vector_load %arg7[%parallel_loop3A_489, %parallel_loop3A_490, %parallel_loop3A_491, %parallel_loop3A_492] {strides = array<i32>} : memref<2x16x16x128xf32, #tpu.memory_space<vmem>>, vector<16xf32>,
        tpu.vector_store %arg7[%parallel_loop3A_489, %parallel_loop3A_490, %parallel_loop3A_491, %parallel_loop3A_492], %parallel_loop3A_369 {strides = array<i32>} : memref<2x16x16x128xf32, #tpu.memory_space<vmem>>, vector<16xf32>,
        %parallel_loop3A_494 = arith.constant 1 : i32
        %parallel_loop3A_495 = arith.constant 6 : i32
        %parallel_loop3A_496 = arith.index_cast %parallel_loop3A_494 : i32 to index
        %parallel_loop3A_497 = arith.index_cast %parallel_loop3A_495 : i32 to index
        %parallel_loop3A_498 = arith.index_cast %parallel_loop3A_433 : i32 to index
        %parallel_loop3A_499 = arith.index_cast %parallel_loop3A_451 : i32 to index
        %parallel_loop3A_500 = tpu.vector_load %arg7[%parallel_loop3A_496, %parallel_loop3A_497, %parallel_loop3A_498, %parallel_loop3A_499] {strides = array<i32>} : memref<2x16x16x128xf32, #tpu.memory_space<vmem>>, vector<16xf32>,
        tpu.vector_store %arg7[%parallel_loop3A_496, %parallel_loop3A_497, %parallel_loop3A_498, %parallel_loop3A_499], %parallel_loop3A_373 {strides = array<i32>} : memref<2x16x16x128xf32, #tpu.memory_space<vmem>>, vector<16xf32>,
        %parallel_loop3A_501 = arith.constant 1 : i32
        %parallel_loop3A_502 = arith.constant 7 : i32
        %parallel_loop3A_503 = arith.index_cast %parallel_loop3A_501 : i32 to index
        %parallel_loop3A_504 = arith.index_cast %parallel_loop3A_502 : i32 to index
        %parallel_loop3A_505 = arith.index_cast %parallel_loop3A_433 : i32 to index
        %parallel_loop3A_506 = arith.index_cast %parallel_loop3A_451 : i32 to index
        %parallel_loop3A_507 = tpu.vector_load %arg7[%parallel_loop3A_503, %parallel_loop3A_504, %parallel_loop3A_505, %parallel_loop3A_506] {strides = array<i32>} : memref<2x16x16x128xf32, #tpu.memory_space<vmem>>, vector<16xf32>,
        tpu.vector_store %arg7[%parallel_loop3A_503, %parallel_loop3A_504, %parallel_loop3A_505, %parallel_loop3A_506], %parallel_loop3A_377 {strides = array<i32>} : memref<2x16x16x128xf32, #tpu.memory_space<vmem>>, vector<16xf32>,
        %parallel_loop3A_508 = arith.constant 1 : i32
        %parallel_loop3A_509 = arith.constant 8 : i32
        %parallel_loop3A_510 = arith.index_cast %parallel_loop3A_508 : i32 to index
        %parallel_loop3A_511 = arith.index_cast %parallel_loop3A_509 : i32 to index
        %parallel_loop3A_512 = arith.index_cast %parallel_loop3A_433 : i32 to index
        %parallel_loop3A_513 = arith.index_cast %parallel_loop3A_451 : i32 to index
        %parallel_loop3A_514 = tpu.vector_load %arg7[%parallel_loop3A_510, %parallel_loop3A_511, %parallel_loop3A_512, %parallel_loop3A_513] {strides = array<i32>} : memref<2x16x16x128xf32, #tpu.memory_space<vmem>>, vector<16xf32>,
        tpu.vector_store %arg7[%parallel_loop3A_510, %parallel_loop3A_511, %parallel_loop3A_512, %parallel_loop3A_513], %parallel_loop3A_381 {strides = array<i32>} : memref<2x16x16x128xf32, #tpu.memory_space<vmem>>, vector<16xf32>,
        %parallel_loop3A_515 = arith.constant 1 : i32
        %parallel_loop3A_516 = arith.constant 9 : i32
        %parallel_loop3A_517 = arith.index_cast %parallel_loop3A_515 : i32 to index
        %parallel_loop3A_518 = arith.index_cast %parallel_loop3A_516 : i32 to index
        %parallel_loop3A_519 = arith.index_cast %parallel_loop3A_433 : i32 to index
        %parallel_loop3A_520 = arith.index_cast %parallel_loop3A_451 : i32 to index
        %parallel_loop3A_521 = tpu.vector_load %arg7[%parallel_loop3A_517, %parallel_loop3A_518, %parallel_loop3A_519, %parallel_loop3A_520] {strides = array<i32>} : memref<2x16x16x128xf32, #tpu.memory_space<vmem>>, vector<16xf32>,
        tpu.vector_store %arg7[%parallel_loop3A_517, %parallel_loop3A_518, %parallel_loop3A_519, %parallel_loop3A_520], %parallel_loop3A_385 {strides = array<i32>} : memref<2x16x16x128xf32, #tpu.memory_space<vmem>>, vector<16xf32>,
        %parallel_loop3A_522 = arith.constant 1 : i32
        %parallel_loop3A_523 = arith.constant 10 : i32
        %parallel_loop3A_524 = arith.index_cast %parallel_loop3A_522 : i32 to index
        %parallel_loop3A_525 = arith.index_cast %parallel_loop3A_523 : i32 to index
        %parallel_loop3A_526 = arith.index_cast %parallel_loop3A_433 : i32 to index
        %parallel_loop3A_527 = arith.index_cast %parallel_loop3A_451 : i32 to index
        %parallel_loop3A_528 = tpu.vector_load %arg7[%parallel_loop3A_524, %parallel_loop3A_525, %parallel_loop3A_526, %parallel_loop3A_527] {strides = array<i32>} : memref<2x16x16x128xf32, #tpu.memory_space<vmem>>, vector<16xf32>,
        tpu.vector_store %arg7[%parallel_loop3A_524, %parallel_loop3A_525, %parallel_loop3A_526, %parallel_loop3A_527], %parallel_loop3A_389 {strides = array<i32>} : memref<2x16x16x128xf32, #tpu.memory_space<vmem>>, vector<16xf32>,
        %parallel_loop3A_529 = arith.constant 1 : i32
        %parallel_loop3A_530 = arith.constant 11 : i32
        %parallel_loop3A_531 = arith.index_cast %parallel_loop3A_529 : i32 to index
        %parallel_loop3A_532 = arith.index_cast %parallel_loop3A_530 : i32 to index
        %parallel_loop3A_533 = arith.index_cast %parallel_loop3A_433 : i32 to index
        %parallel_loop3A_534 = arith.index_cast %parallel_loop3A_451 : i32 to index
        %parallel_loop3A_535 = tpu.vector_load %arg7[%parallel_loop3A_531, %parallel_loop3A_532, %parallel_loop3A_533, %parallel_loop3A_534] {strides = array<i32>} : memref<2x16x16x128xf32, #tpu.memory_space<vmem>>, vector<16xf32>,
        tpu.vector_store %arg7[%parallel_loop3A_531, %parallel_loop3A_532, %parallel_loop3A_533, %parallel_loop3A_534], %parallel_loop3A_393 {strides = array<i32>} : memref<2x16x16x128xf32, #tpu.memory_space<vmem>>, vector<16xf32>,
        %parallel_loop3A_536 = arith.constant 1 : i32
        %parallel_loop3A_537 = arith.constant 12 : i32
        %parallel_loop3A_538 = arith.index_cast %parallel_loop3A_536 : i32 to index
        %parallel_loop3A_539 = arith.index_cast %parallel_loop3A_537 : i32 to index
        %parallel_loop3A_540 = arith.index_cast %parallel_loop3A_433 : i32 to index
        %parallel_loop3A_541 = arith.index_cast %parallel_loop3A_451 : i32 to index
        %parallel_loop3A_542 = tpu.vector_load %arg7[%parallel_loop3A_538, %parallel_loop3A_539, %parallel_loop3A_540, %parallel_loop3A_541] {strides = array<i32>} : memref<2x16x16x128xf32, #tpu.memory_space<vmem>>, vector<16xf32>,
        tpu.vector_store %arg7[%parallel_loop3A_538, %parallel_loop3A_539, %parallel_loop3A_540, %parallel_loop3A_541], %parallel_loop3A_397 {strides = array<i32>} : memref<2x16x16x128xf32, #tpu.memory_space<vmem>>, vector<16xf32>,
        %parallel_loop3A_543 = arith.constant 1 : i32
        %parallel_loop3A_544 = arith.constant 13 : i32
        %parallel_loop3A_545 = arith.index_cast %parallel_loop3A_543 : i32 to index
        %parallel_loop3A_546 = arith.index_cast %parallel_loop3A_544 : i32 to index
        %parallel_loop3A_547 = arith.index_cast %parallel_loop3A_433 : i32 to index
        %parallel_loop3A_548 = arith.index_cast %parallel_loop3A_451 : i32 to index
        %parallel_loop3A_549 = tpu.vector_load %arg7[%parallel_loop3A_545, %parallel_loop3A_546, %parallel_loop3A_547, %parallel_loop3A_548] {strides = array<i32>} : memref<2x16x16x128xf32, #tpu.memory_space<vmem>>, vector<16xf32>,
        tpu.vector_store %arg7[%parallel_loop3A_545, %parallel_loop3A_546, %parallel_loop3A_547, %parallel_loop3A_548], %parallel_loop3A_401 {strides = array<i32>} : memref<2x16x16x128xf32, #tpu.memory_space<vmem>>, vector<16xf32>,
        %parallel_loop3A_550 = arith.constant 1 : i32
        %parallel_loop3A_551 = arith.constant 14 : i32
        %parallel_loop3A_552 = arith.index_cast %parallel_loop3A_550 : i32 to index
        %parallel_loop3A_553 = arith.index_cast %parallel_loop3A_551 : i32 to index
        %parallel_loop3A_554 = arith.index_cast %parallel_loop3A_433 : i32 to index
        %parallel_loop3A_555 = arith.index_cast %parallel_loop3A_451 : i32 to index
        %parallel_loop3A_556 = tpu.vector_load %arg7[%parallel_loop3A_552, %parallel_loop3A_553, %parallel_loop3A_554, %parallel_loop3A_555] {strides = array<i32>} : memref<2x16x16x128xf32, #tpu.memory_space<vmem>>, vector<16xf32>,
        tpu.vector_store %arg7[%parallel_loop3A_552, %parallel_loop3A_553, %parallel_loop3A_554, %parallel_loop3A_555], %parallel_loop3A_405 {strides = array<i32>} : memref<2x16x16x128xf32, #tpu.memory_space<vmem>>, vector<16xf32>,
        %parallel_loop3A_557 = arith.constant 1 : i32
        %parallel_loop3A_558 = arith.constant 15 : i32
        %parallel_loop3A_559 = arith.index_cast %parallel_loop3A_557 : i32 to index
        %parallel_loop3A_560 = arith.index_cast %parallel_loop3A_558 : i32 to index
        %parallel_loop3A_561 = arith.index_cast %parallel_loop3A_433 : i32 to index
        %parallel_loop3A_562 = arith.index_cast %parallel_loop3A_451 : i32 to index
        %parallel_loop3A_563 = tpu.vector_load %arg7[%parallel_loop3A_559, %parallel_loop3A_560, %parallel_loop3A_561, %parallel_loop3A_562] {strides = array<i32>} : memref<2x16x16x128xf32, #tpu.memory_space<vmem>>, vector<16xf32>,
        tpu.vector_store %arg7[%parallel_loop3A_559, %parallel_loop3A_560, %parallel_loop3A_561, %parallel_loop3A_562], %parallel_loop3A_409 {strides = array<i32>} : memref<2x16x16x128xf32, #tpu.memory_space<vmem>>, vector<16xf32>,
      } {sc.loop_unroll_factor = 2 : i64, sc.parallel_access}
      %mul3A_228 = arith.constant 4 : i32
      %mul3A_229 = arith.muli %add3A, %mul3A_228 : i32
      %jit3A_230 = arith.constant 8 : i32
      %div3A_231 = arith.divsi %add3A_208, %jit3A_230 : i32
      %sign3A_232 = arith.constant 0 : i32
      %sign3A_233 = arith.cmpi sgt, %add3A_208, %sign3A_232 : i32
      %sign3A_234 = arith.extui %sign3A_233 : i1 to i32
      %sign3A_235 = arith.constant 0 : i32
      %sign3A_236 = arith.cmpi slt, %add3A_208, %sign3A_235 : i32
      %sign3A_237 = arith.extui %sign3A_236 : i1 to i32
      %sign3A_238 = arith.subi %sign3A_234, %sign3A_237 : i32
      %sign3A_239 = arith.constant 0 : i32
      %sign3A_240 = arith.cmpi sgt, %jit3A_230, %sign3A_239 : i32
      %sign3A_241 = arith.extui %sign3A_240 : i1 to i32
      %sign3A_242 = arith.constant 0 : i32
      %sign3A_243 = arith.cmpi slt, %jit3A_230, %sign3A_242 : i32
      %sign3A_244 = arith.extui %sign3A_243 : i1 to i32
      %sign3A_245 = arith.subi %sign3A_241, %sign3A_244 : i32
      %ne3A_246 = arith.cmpi ne, %sign3A_238, %sign3A_245 : i32
      %rem3A_247 = arith.remsi %add3A_208, %jit3A_230 : i32
      %ne3A_248 = arith.constant 0 : i32
      %ne3A_249 = arith.cmpi ne, %rem3A_247, %ne3A_248 : i32
      %and3A_250 = arith.andi %ne3A_246, %ne3A_249 : i1
      %sub3A_251 = arith.constant 1 : i32
      %sub3A_252 = arith.subi %div3A_231, %sub3A_251 : i32
      %select_n3A_253 = arith.select %and3A_250, %sub3A_252, %div3A_231 : i32
      %add3A_254 = arith.addi %mul3A_229, %select_n3A_253 : i32
      %jit3A_255 = arith.constant 8 : i32
      %eq3A_256 = arith.constant 0 : i32
      %eq3A_257 = arith.cmpi eq, %jit3A_255, %eq3A_256 : i32
      %jit3A_258 = arith.constant 1 : i32
      %select_n3A_259 = arith.select %eq3A_257, %jit3A_258, %jit3A_255 : i32
      %rem3A_260 = arith.remsi %add3A_208, %select_n3A_259 : i32
      %ne3A_261 = arith.constant 0 : i32
      %ne3A_262 = arith.cmpi ne, %rem3A_260, %ne3A_261 : i32
      %lt3A_263 = arith.constant 0 : i32
      %lt3A_264 = arith.cmpi slt, %rem3A_260, %lt3A_263 : i32
      %lt3A_265 = arith.constant 0 : i32
      %lt3A_266 = arith.cmpi slt, %select_n3A_259, %lt3A_265 : i32
      %ne3A_267 = arith.xori %lt3A_264, %lt3A_266 : i1
      %and3A_268 = arith.andi %ne3A_267, %ne3A_262 : i1
      %add3A_269 = arith.addi %rem3A_260, %select_n3A_259 : i32
      %select_n3A_270 = arith.select %and3A_268, %add3A_269, %rem3A_260 : i32
      %mul3A_271 = arith.constant 16 : i32
      %mul3A_272 = arith.muli %select_n3A_270, %mul3A_271 : i32
      %jit3A_273 = arith.constant 8 : i32
      %div3A_274 = arith.divsi %add3A_254, %jit3A_273 : i32
      %sign3A_275 = arith.constant 0 : i32
      %sign3A_276 = arith.cmpi sgt, %add3A_254, %sign3A_275 : i32
      %sign3A_277 = arith.extui %sign3A_276 : i1 to i32
      %sign3A_278 = arith.constant 0 : i32
      %sign3A_279 = arith.cmpi slt, %add3A_254, %sign3A_278 : i32
      %sign3A_280 = arith.extui %sign3A_279 : i1 to i32
      %sign3A_281 = arith.subi %sign3A_277, %sign3A_280 : i32
      %sign3A_282 = arith.constant 0 : i32
      %sign3A_283 = arith.cmpi sgt, %jit3A_273, %sign3A_282 : i32
      %sign3A_284 = arith.extui %sign3A_283 : i1 to i32
      %sign3A_285 = arith.constant 0 : i32
      %sign3A_286 = arith.cmpi slt, %jit3A_273, %sign3A_285 : i32
      %sign3A_287 = arith.extui %sign3A_286 : i1 to i32
      %sign3A_288 = arith.subi %sign3A_284, %sign3A_287 : i32
      %ne3A_289 = arith.cmpi ne, %sign3A_281, %sign3A_288 : i32
      %rem3A_290 = arith.remsi %add3A_254, %jit3A_273 : i32
      %ne3A_291 = arith.constant 0 : i32
      %ne3A_292 = arith.cmpi ne, %rem3A_290, %ne3A_291 : i32
      %and3A_293 = arith.andi %ne3A_289, %ne3A_292 : i1
      %sub3A_294 = arith.constant 1 : i32
      %sub3A_295 = arith.subi %div3A_274, %sub3A_294 : i32
      %select_n3A_296 = arith.select %and3A_293, %sub3A_295, %div3A_274 : i32
      %jit3A_297 = arith.constant 8 : i32
      %eq3A_298 = arith.constant 0 : i32
      %eq3A_299 = arith.cmpi eq, %jit3A_297, %eq3A_298 : i32
      %jit3A_300 = arith.constant 1 : i32
      %select_n3A_301 = arith.select %eq3A_299, %jit3A_300, %jit3A_297 : i32
      %rem3A_302 = arith.remsi %add3A_254, %select_n3A_301 : i32
      %ne3A_303 = arith.constant 0 : i32
      %ne3A_304 = arith.cmpi ne, %rem3A_302, %ne3A_303 : i32
      %lt3A_305 = arith.constant 0 : i32
      %lt3A_306 = arith.cmpi slt, %rem3A_302, %lt3A_305 : i32
      %lt3A_307 = arith.constant 0 : i32
      %lt3A_308 = arith.cmpi slt, %select_n3A_301, %lt3A_307 : i32
      %ne3A_309 = arith.xori %lt3A_306, %lt3A_308 : i1
      %and3A_310 = arith.andi %ne3A_309, %ne3A_304 : i1
      %add3A_311 = arith.addi %rem3A_302, %select_n3A_301 : i32
      %select_n3A_312 = arith.select %and3A_310, %add3A_311, %rem3A_302 : i32
      %dma_start3A_313 = arith.constant 1 : i32
      %dma_start3A_314 = arith.constant 0 : i32
      %dma_start3A_315 = arith.constant 0 : i32
      %dma_start3A_316 = arith.constant 0 : i32
      %dma_start3A_317 = tpu.memref_slice %arg7[%dma_start3A_313, %dma_start3A_314, %dma_start3A_315, %dma_start3A_316] : memref<2x16x16x128xf32, #tpu.memory_space<vmem>> -> memref<1x16x16x128xf32, #tpu.memory_space<vmem>>
      %dma_start3A_318 = tpu.memref_squeeze %dma_start3A_317 : memref<1x16x16x128xf32, #tpu.memory_space<vmem>> -> memref<16x16x128xf32, #tpu.memory_space<vmem>>
      %dma_start3A_319 = arith.constant 0 : i32
      %dma_start3A_320 = arith.constant 0 : i32
      %dma_start3A_321 = tpu.memref_slice %arg4[%select_n3A_296, %select_n3A_312, %dma_start3A_319, %mul3A_272, %dma_start3A_320] : memref<16x8x16x128x128xf32, #tpu.memory_space<hbm>> -> memref<1x1x16x16x128xf32, #tpu.memory_space<hbm>>
      %dma_start3A_322 = tpu.memref_squeeze %dma_start3A_321 : memref<1x1x16x16x128xf32, #tpu.memory_space<hbm>> -> memref<16x16x128xf32, #tpu.memory_space<hbm>>
      %dma_start3A_323 = arith.constant 0 : i32
      %dma_start3A_324 = arith.constant 0 : i32
      %dma_start3A_325 = tpu.memref_slice %arg4[%select_n3A_296, %select_n3A_312, %dma_start3A_323, %mul3A_272, %dma_start3A_324] : memref<16x8x16x128x128xf32, #tpu.memory_space<hbm>> -> memref<1x1x16x16x128xf32, #tpu.memory_space<hbm>>
      %dma_start3A_326 = tpu.memref_squeeze %dma_start3A_325 : memref<1x1x16x16x128xf32, #tpu.memory_space<hbm>> -> memref<16x16x128xf32, #tpu.memory_space<hbm>>
      %dma_start3A_327 = arith.constant 0 : i32
      %dma_start3A_328 = arith.constant 0 : i32
      %dma_start3A_329 = arith.constant 0 : i32
      %dma_start3A_330 = tpu.memref_slice %arg7[%dma_start3A_313, %dma_start3A_327, %dma_start3A_328, %dma_start3A_329] : memref<2x16x16x128xf32, #tpu.memory_space<vmem>> -> memref<1x16x16x128xf32, #tpu.memory_space<vmem>>
      %dma_start3A_331 = tpu.memref_squeeze %dma_start3A_330 : memref<1x16x16x128xf32, #tpu.memory_space<vmem>> -> memref<16x16x128xf32, #tpu.memory_space<vmem>>
      tpu.enqueue_dma source(%dma_start3A_331 : memref<16x16x128xf32, #tpu.memory_space<vmem>>) target(%dma_start3A_326 : memref<16x16x128xf32, #tpu.memory_space<hbm>>) target_semaphore(%arg11 : memref<!tpu.dma_semaphore, #tpu.memory_space<semaphore_mem>>)
      %add3A_332 = arith.constant 2 : i32
      %add3A_333 = arith.addi %add3A_208, %add3A_332 : i32
      %lt3A_334 = arith.constant 32 : i32
      %lt3A_335 = arith.cmpi slt, %add3A_333, %lt3A_334 : i32
      %convert_element_type3A_336 = arith.extui %lt3A_335 : i1 to i32
      %cond3A_337 = arith.constant 0 : i32
      %cond3A_338 = arith.cmpi ne, %convert_element_type3A_336, %cond3A_337 : i32
      scf.if %cond3A_338 {
        %add3A_339 = arith.constant 2 : i32
        %add3A_340 = arith.addi %add3A_208, %add3A_339 : i32
        %mul3A_341 = arith.constant 4 : i32
        %mul3A_342 = arith.muli %add3A, %mul3A_341 : i32
        %jit3A_343 = arith.constant 8 : i32
        %div3A_344 = arith.divsi %add3A_340, %jit3A_343 : i32
        %sign3A_345 = arith.constant 0 : i32
        %sign3A_346 = arith.cmpi sgt, %add3A_340, %sign3A_345 : i32
        %sign3A_347 = arith.extui %sign3A_346 : i1 to i32
        %sign3A_348 = arith.constant 0 : i32
        %sign3A_349 = arith.cmpi slt, %add3A_340, %sign3A_348 : i32
        %sign3A_350 = arith.extui %sign3A_349 : i1 to i32
        %sign3A_351 = arith.subi %sign3A_347, %sign3A_350 : i32
        %sign3A_352 = arith.constant 0 : i32
        %sign3A_353 = arith.cmpi sgt, %jit3A_343, %sign3A_352 : i32
        %sign3A_354 = arith.extui %sign3A_353 : i1 to i32
        %sign3A_355 = arith.constant 0 : i32
        %sign3A_356 = arith.cmpi slt, %jit3A_343, %sign3A_355 : i32
        %sign3A_357 = arith.extui %sign3A_356 : i1 to i32
        %sign3A_358 = arith.subi %sign3A_354, %sign3A_357 : i32
        %ne3A_359 = arith.cmpi ne, %sign3A_351, %sign3A_358 : i32
        %rem3A_360 = arith.remsi %add3A_340, %jit3A_343 : i32
        %ne3A_361 = arith.constant 0 : i32
        %ne3A_362 = arith.cmpi ne, %rem3A_360, %ne3A_361 : i32
        %and3A_363 = arith.andi %ne3A_359, %ne3A_362 : i1
        %sub3A_364 = arith.constant 1 : i32
        %sub3A_365 = arith.subi %div3A_344, %sub3A_364 : i32
        %select_n3A_366 = arith.select %and3A_363, %sub3A_365, %div3A_344 : i32
        %add3A_367 = arith.addi %mul3A_342, %select_n3A_366 : i32
        %mul3A_368 = arith.constant 16384 : i32
        %mul3A_369 = arith.muli %add3A_367, %mul3A_368 : i32
        %jit3A_370 = arith.constant 8 : i32
        %eq3A_371 = arith.constant 0 : i32
        %eq3A_372 = arith.cmpi eq, %jit3A_370, %eq3A_371 : i32
        %jit3A_373 = arith.constant 1 : i32
        %select_n3A_374 = arith.select %eq3A_372, %jit3A_373, %jit3A_370 : i32
        %rem3A_375 = arith.remsi %add3A_340, %select_n3A_374 : i32
        %ne3A_376 = arith.constant 0 : i32
        %ne3A_377 = arith.cmpi ne, %rem3A_375, %ne3A_376 : i32
        %lt3A_378 = arith.constant 0 : i32
        %lt3A_379 = arith.cmpi slt, %rem3A_375, %lt3A_378 : i32
        %lt3A_380 = arith.constant 0 : i32
        %lt3A_381 = arith.cmpi slt, %select_n3A_374, %lt3A_380 : i32
        %ne3A_382 = arith.xori %lt3A_379, %lt3A_381 : i1
        %and3A_383 = arith.andi %ne3A_382, %ne3A_377 : i1
        %add3A_384 = arith.addi %rem3A_375, %select_n3A_374 : i32
        %select_n3A_385 = arith.select %and3A_383, %add3A_384, %rem3A_375 : i32
        %mul3A_386 = arith.constant 2048 : i32
        %mul3A_387 = arith.muli %select_n3A_385, %mul3A_386 : i32
        %add3A_388 = arith.addi %mul3A_369, %mul3A_387 : i32
        %dma_start3A_389 = arith.constant 1 : i32
        %dma_start3A_390 = arith.constant 0 : i32
        %dma_start3A_391 = tpu.memref_slice %arg6[%dma_start3A_389, %dma_start3A_390] : memref<2x2048xi32, #tpu.memory_space<vmem>> -> memref<1x2048xi32, #tpu.memory_space<vmem>>
        %dma_start3A_392 = tpu.memref_squeeze %dma_start3A_391 : memref<1x2048xi32, #tpu.memory_space<vmem>> -> memref<2048xi32, #tpu.memory_space<vmem>>
        %dma_start3A_393 = tpu.memref_slice %arg2[%add3A_388] : memref<2097152xi32, #tpu.memory_space<hbm>> -> memref<2048xi32, #tpu.memory_space<hbm>>
        %dma_start3A_394 = arith.constant 0 : i32
        %dma_start3A_395 = tpu.memref_slice %arg6[%dma_start3A_389, %dma_start3A_394] : memref<2x2048xi32, #tpu.memory_space<vmem>> -> memref<1x2048xi32, #tpu.memory_space<vmem>>
        %dma_start3A_396 = tpu.memref_squeeze %dma_start3A_395 : memref<1x2048xi32, #tpu.memory_space<vmem>> -> memref<2048xi32, #tpu.memory_space<vmem>>
        %dma_start3A_397 = tpu.memref_slice %arg2[%add3A_388] : memref<2097152xi32, #tpu.memory_space<hbm>> -> memref<2048xi32, #tpu.memory_space<hbm>>
        tpu.enqueue_dma source(%dma_start3A_397 : memref<2048xi32, #tpu.memory_space<hbm>>) target(%dma_start3A_396 : memref<2048xi32, #tpu.memory_space<vmem>>) target_semaphore(%arg9 : memref<!tpu.dma_semaphore, #tpu.memory_space<semaphore_mem>>)
      } else {
      }
    }
    %scan3A_38 = arith.constant 16 : i32
    %dma_wait3A = arith.constant 0 : i32
    %dma_wait3A_39 = arith.constant 0 : i32
    %dma_wait3A_40 = arith.constant 0 : i32
    %dma_wait3A_41 = arith.constant 0 : i32
    %dma_wait3A_42 = arith.constant 0 : i32
    %dma_wait3A_43 = arith.constant 0 : i32
    %dma_wait3A_44 = tpu.memref_slice %arg7[%dma_wait3A, %dma_wait3A_41, %dma_wait3A_42, %dma_wait3A_43] : memref<2x16x16x128xf32, #tpu.memory_space<vmem>> -> memref<1x16x16x128xf32, #tpu.memory_space<vmem>>
    %dma_wait3A_45 = tpu.memref_squeeze %dma_wait3A_44 : memref<1x16x16x128xf32, #tpu.memory_space<vmem>> -> memref<16x16x128xf32, #tpu.memory_space<vmem>>
    %dma_wait3A_46 = arith.constant 0 : i32
    %dma_wait3A_47 = arith.constant 0 : i32
    %dma_wait3A_48 = arith.constant 0 : i32
    %dma_wait3A_49 = tpu.memref_slice %arg4[%dma_wait3A_39, %dma_wait3A_40, %dma_wait3A_46, %dma_wait3A_47, %dma_wait3A_48] : memref<16x8x16x128x128xf32, #tpu.memory_space<hbm>> -> memref<1x1x16x16x128xf32, #tpu.memory_space<hbm>>
    %dma_wait3A_50 = tpu.memref_squeeze %dma_wait3A_49 : memref<1x1x16x16x128xf32, #tpu.memory_space<hbm>> -> memref<16x16x128xf32, #tpu.memory_space<hbm>>
    %dma_wait3A_51 = arith.constant 0 : i32
    %dma_wait3A_52 = arith.constant 0 : i32
    %dma_wait3A_53 = arith.constant 0 : i32
    %dma_wait3A_54 = tpu.memref_slice %arg4[%dma_wait3A_39, %dma_wait3A_40, %dma_wait3A_51, %dma_wait3A_52, %dma_wait3A_53] : memref<16x8x16x128x128xf32, #tpu.memory_space<hbm>> -> memref<1x1x16x16x128xf32, #tpu.memory_space<hbm>>
    %dma_wait3A_55 = tpu.memref_squeeze %dma_wait3A_54 : memref<1x1x16x16x128xf32, #tpu.memory_space<hbm>> -> memref<16x16x128xf32, #tpu.memory_space<hbm>>
    %dma_wait3A_56 = arith.constant 0 : i32
    %dma_wait3A_57 = arith.constant 0 : i32
    %dma_wait3A_58 = arith.constant 0 : i32
    %dma_wait3A_59 = tpu.memref_slice %arg7[%dma_wait3A, %dma_wait3A_56, %dma_wait3A_57, %dma_wait3A_58] : memref<2x16x16x128xf32, #tpu.memory_space<vmem>> -> memref<1x16x16x128xf32, #tpu.memory_space<vmem>>
    %dma_wait3A_60 = tpu.memref_squeeze %dma_wait3A_59 : memref<1x16x16x128xf32, #tpu.memory_space<vmem>> -> memref<16x16x128xf32, #tpu.memory_space<vmem>>
    tpu.wait_dma2 semaphore(%arg10 : memref<!tpu.dma_semaphore, #tpu.memory_space<semaphore_mem>>) src(%dma_wait3A_60 : memref<16x16x128xf32, #tpu.memory_space<vmem>>) dst(%dma_wait3A_55 : memref<16x16x128xf32, #tpu.memory_space<hbm>>)
    %dma_wait3A_61 = arith.constant 1 : i32
    %dma_wait3A_62 = arith.constant 0 : i32
    %dma_wait3A_63 = arith.constant 0 : i32
    %dma_wait3A_64 = arith.constant 0 : i32
    %dma_wait3A_65 = arith.constant 0 : i32
    %dma_wait3A_66 = arith.constant 0 : i32
    %dma_wait3A_67 = tpu.memref_slice %arg7[%dma_wait3A_61, %dma_wait3A_64, %dma_wait3A_65, %dma_wait3A_66] : memref<2x16x16x128xf32, #tpu.memory_space<vmem>> -> memref<1x16x16x128xf32, #tpu.memory_space<vmem>>
    %dma_wait3A_68 = tpu.memref_squeeze %dma_wait3A_67 : memref<1x16x16x128xf32, #tpu.memory_space<vmem>> -> memref<16x16x128xf32, #tpu.memory_space<vmem>>
    %dma_wait3A_69 = arith.constant 0 : i32
    %dma_wait3A_70 = arith.constant 0 : i32
    %dma_wait3A_71 = arith.constant 0 : i32
    %dma_wait3A_72 = tpu.memref_slice %arg4[%dma_wait3A_62, %dma_wait3A_63, %dma_wait3A_69, %dma_wait3A_70, %dma_wait3A_71] : memref<16x8x16x128x128xf32, #tpu.memory_space<hbm>> -> memref<1x1x16x16x128xf32, #tpu.memory_space<hbm>>
    %dma_wait3A_73 = tpu.memref_squeeze %dma_wait3A_72 : memref<1x1x16x16x128xf32, #tpu.memory_space<hbm>> -> memref<16x16x128xf32, #tpu.memory_space<hbm>>
    %dma_wait3A_74 = arith.constant 0 : i32
    %dma_wait3A_75 = arith.constant 0 : i32
    %dma_wait3A_76 = arith.constant 0 : i32
    %dma_wait3A_77 = tpu.memref_slice %arg4[%dma_wait3A_62, %dma_wait3A_63, %dma_wait3A_74, %dma_wait3A_75, %dma_wait3A_76] : memref<16x8x16x128x128xf32, #tpu.memory_space<hbm>> -> memref<1x1x16x16x128xf32, #tpu.memory_space<hbm>>
    %dma_wait3A_78 = tpu.memref_squeeze %dma_wait3A_77 : memref<1x1x16x16x128xf32, #tpu.memory_space<hbm>> -> memref<16x16x128xf32, #tpu.memory_space<hbm>>
    %dma_wait3A_79 = arith.constant 0 : i32
    %dma_wait3A_80 = arith.constant 0 : i32
    %dma_wait3A_81 = arith.constant 0 : i32
    %dma_wait3A_82 = tpu.memref_slice %arg7[%dma_wait3A_61, %dma_wait3A_79, %dma_wait3A_80, %dma_wait3A_81] : memref<2x16x16x128xf32, #tpu.memory_space<vmem>> -> memref<1x16x16x128xf32, #tpu.memory_space<vmem>>
    %dma_wait3A_83 = tpu.memref_squeeze %dma_wait3A_82 : memref<1x16x16x128xf32, #tpu.memory_space<vmem>> -> memref<16x16x128xf32, #tpu.memory_space<vmem>>
    tpu.wait_dma2 semaphore(%arg11 : memref<!tpu.dma_semaphore, #tpu.memory_space<semaphore_mem>>) src(%dma_wait3A_83 : memref<16x16x128xf32, #tpu.memory_space<vmem>>) dst(%dma_wait3A_78 : memref<16x16x128xf32, #tpu.memory_space<hbm>>)
    return
  }
}

</mosaic_0001>

<sc_bundles>
// kernel: kernel.3.cloned.1.call-start
scs
__scs_entry_jumppad:
0x0: {  	(pc) =	sbr.rel $0x88, $3  }
0x1: {  	(tag) =	ssettag $0x0;
	lr =	simm.s32 $0x1  }
0x2: {  	[smem:$0x3F9F] =	sst lr;
	_ =	strace $0xD0000000  }
0x3: {  	_ = 	snop  }
0x4: {  	_ = 	snop  }
0x5: {  	_ = 	snop  }
0x6: {  	_ = 	snop  }
0x7: {  	_ = 	snop  }
__scs_overlays_trampoline_lowered:
0x8: {  	[smem:$0x3FAE] =	sst s0  }
0x9: {  	[smem:$0x3FAF] =	sst s1  }
0xa: {  	[smem:$0x3FB0] =	sst s2  }
0xb: {  	[smem:$0x3FB1] =	sst s3  }
0xc: {  	[smem:$0x3FB2] =	sst s4  }
0xd: {  	[smem:$0x3FB3] =	sst s5  }
0xe: {  	[smem:$0x3FB4] =	sst s6  }
0xf: {  	[smem:$0x3FB5] =	sst s7  }
0x10: {  	[smem:$0x3FB6] =	sst s8  }
0x11: {  	[smem:$0x3FB7] =	sst s9;
	s0 =	simm.s32 @!p0 $0x0  }
0x12: {  	s1 =	sld [smem:$0x3F9D];
	s0 =	simm.s32 @p0 $0x1  }
0x13: {  	[smem:$0x3FB8] =	sst s0;
	s0 =	simm.s32 @!p1 $0x0  }
0x14: {  	s2 =	sld [smem:$0x3F9C];
	s0 =	simm.s32 @p1 $0x1  }
0x15: {  	[smem:$0x3FB9] =	sst s0;
	s0 =	simm.s32 @!p2 $0x0  }
0x16: {  	s3 =	sld [smem:$0x3FDB];
	s0 =	simm.s32 @p2 $0x1  }
0x17: {  	s4 =	simm.s32 $0x1BF5;
	[smem:$0x3FBB] =	sst s0  }
0x18: {  	s0 =	sld [smem:$0x3F9E];
	_ =	swait.ge [sflag:s4], $0x0  }
0x19: {  	s7 =	sld [smem:$0x3F9F]  }
0x1a: {  	s8 =	sadd.s32 $0xFFFFE003, lr  }
0x1b: {  	s9 =	sadd.s32 $0xFFFFFEF7, lr;
	s5 =	simm.s32 $0xFFFFFFFF;
	p2 =	slt.u32 s8, $0xFFFFF086  }
0x1c: {  	p1 =	slt.u32 s9, $0xF7A;
	s5 =	simm.s32 @!p2 $0x0  }
0x1d: {  	s5 =	simm.s32 @p1 $0x1;
	p0 =	seq.s32 s7, s2  }
0x1e: {  	s7 =	smul.u32 @!p0 $0xF7A, s2;
	p2 =	seq.s32 @!p0 s5, $0x0  }
0x1f: {  	s9 =	smul.u32 $0xF7A, s1;
	s8 =	simm.s32 @!p0 $0x1BF5;
	p2 =	por !p2, p0  }
0x20: {  	[sflag:s8] =	ssyncset.s32 @!p0 $0xFFFFF086;
	s6 =	sadd.s32 @!p0 s3, s7;
	s7 =	simm.s32 @!p0 $0x108  }
0x21: {  	s3 =	sadd.s32 s3, s9;
	s6 =	sadd.s32 @!p0 $0x88, s6;
	s7 =	simm.s32 @p2 $0x1082  }
0x22: {  	[simem:s7], [sflag:s8] =	dma.local @!p0 [hbm:s6], $0xF7A  }
0x23: {  	s9 =	sor.u32 $0xD0000000, s2;
	s6 =	simm.s32 $0x108;
	_ =	swait.ge @!p0 [sflag:s8], $0x0  }
0x24: {  	s3 =	sadd.s32 $0x88, s3;
	s6 =	simm.s32 @!p1 $0x1082;
	[sflag:s4] =	ssyncset.s32 $0xFFFFF086  }
0x25: {  	[simem:s6], [sflag:s4] =	dma.local [hbm:s3], $0xF7A  }
0x26: {  	[smem:$0x3F9F] =	sst s1;
	(tag) =	ssettag s2;
	_ =	strace s9  }
0x27: {  	s1 =	sld [smem:$0x3FAF]  }
0x28: {  	s2 =	sld [smem:$0x3FB0]  }
0x29: {  	s4 =	sld [smem:$0x3FB2]  }
0x2a: {  	p0 =	seq.s32 s5, $0x0;
	s5 =	sld [smem:$0x3FB3]  }
0x2b: {  	s6 =	sld [smem:$0x3FB4]  }
0x2c: {  	s7 =	sld [smem:$0x3FB5]  }
0x2d: {  	s3 =	simm.s32 $0x108;
	s8 =	sld [smem:$0x3FB6]  }
0x2e: {  	s3 =	simm.s32 @!p0 $0x1082;
	s9 =	sld [smem:$0x3FB7]  }
0x2f: {  	lr =	sadd.s32 s0, s3;
	s0 =	sld [smem:$0x3FAE]  }
0x30: {  	s3 =	sld [smem:$0x3FB1]  }
0x31: {  	[smem:$0x3FBA] =	sst s10  }
0x32: {  	s10 =	sld [smem:$0x3FB8];
	_ =	sdelay $0x3  }
0x33: {  	p0 =	seq.s32 s10, $0x1;
	s10 =	sld [smem:$0x3FBA];
	_ =	sdelay $0x3  }
0x34: {  	[smem:$0x3FBA] =	sst s10  }
0x35: {  	s10 =	sld [smem:$0x3FB9];
	_ =	sdelay $0x3  }
0x36: {  	p1 =	seq.s32 s10, $0x1;
	s10 =	sld [smem:$0x3FBA];
	_ =	sdelay $0x3  }
0x37: {  	[smem:$0x3FBA] =	sst s10  }
0x38: {  	s10 =	sld [smem:$0x3FBB]  }
0x39: {  	_ = 	snop;
	(pc) =	sbr.ind lr, $3  }
0x3a: {  	_ = 	snop  }
0x3b: {  	_ = 	snop  }
0x3c: {  	p2 =	seq.s32 s10, $0x1;
	s10 =	sld [smem:$0x3FBA]  }
0x3d: {  	_ =	shalt  }
0x3e: {  	_ =	shalt  }
0x3f: {  	_ =	shalt  }
0x40: {  	_ =	shalt  }
0x41: {  	_ =	shalt  }
0x42: {  	_ =	shalt  }
0x43: {  	_ =	shalt  }
0x44: {  	_ =	shalt  }
0x45: {  	_ =	shalt  }
0x46: {  	_ =	shalt  }
0x47: {  	_ =	shalt  }
0x48: {  	_ =	shalt  }
0x49: {  	_ =	shalt  }
0x4a: {  	_ =	shalt  }
0x4b: {  	_ =	shalt  }
0x4c: {  	_ =	shalt  }
0x4d: {  	_ =	shalt  }
0x4e: {  	_ =	shalt  }
0x4f: {  	_ =	shalt  }
0x50: {  	_ =	shalt  }
0x51: {  	_ =	shalt  }
0x52: {  	_ =	shalt  }
0x53: {  	_ =	shalt  }
0x54: {  	_ =	shalt  }
0x55: {  	_ =	shalt  }
0x56: {  	_ =	shalt  }
0x57: {  	_ =	shalt  }
0x58: {  	_ =	shalt  }
0x59: {  	_ =	shalt  }
0x5a: {  	_ =	shalt  }
0x5b: {  	_ =	shalt  }
0x5c: {  	_ =	shalt  }
0x5d: {  	_ =	shalt  }
0x5e: {  	_ =	shalt  }
0x5f: {  	_ =	shalt  }
0x60: {  	_ =	shalt  }
0x61: {  	_ =	shalt  }
0x62: {  	_ =	shalt  }
0x63: {  	_ =	shalt  }
0x64: {  	_ =	shalt  }
0x65: {  	_ =	shalt  }
0x66: {  	_ =	shalt  }
0x67: {  	_ =	shalt  }
0x68: {  	_ =	shalt  }
0x69: {  	_ =	shalt  }
0x6a: {  	_ =	shalt  }
0x6b: {  	_ =	shalt  }
0x6c: {  	_ =	shalt  }
0x6d: {  	_ =	shalt  }
0x6e: {  	_ =	shalt  }
0x6f: {  	_ =	shalt  }
0x70: {  	_ =	shalt  }
0x71: {  	_ =	shalt  }
0x72: {  	_ =	shalt  }
0x73: {  	_ =	shalt  }
0x74: {  	_ =	shalt  }
0x75: {  	_ =	shalt  }
0x76: {  	_ =	shalt  }
0x77: {  	_ =	shalt  }
0x78: {  	_ =	shalt  }
0x79: {  	_ =	shalt  }
0x7a: {  	_ =	shalt  }
0x7b: {  	_ =	shalt  }
0x7c: {  	_ =	shalt  }
0x7d: {  	_ =	shalt  }
0x7e: {  	_ =	shalt  }
0x7f: {  	_ =	shalt  }
0x80: {  	_ =	shalt  }
0x81: {  	_ =	shalt  }
0x82: {  	_ =	shalt  }
0x83: {  	_ =	shalt  }
0x84: {  	_ =	shalt  }
0x85: {  	_ =	shalt  }
0x86: {  	_ =	shalt  }
0x87: {  	_ =	shalt  }
.Lfunc_end0:
.L_simem_size_0:
called_computation_lowered:
.L_overlay_start_0:
0x88: {  	s2 =	sld [smem:$0x3FD9]  }
0x89: {  	s3 =	sld [smem:$0x3FFE];
	_ =	sdelay $0x1  }
0x8a: {  	s1 =	srdreg.scid  }
0x8b: {  	s0 =	sand.u32 $0x1, s1  }
0x8c: {  	s17 =	sshll.u32 s0, $0xA;
	s2 =	sadd.s32 s3, s2  }
0x8d: {  	s2 =	sadd.s32 s2, s17  }
0x8e: {  	[smem:$0x3FC6] =	sst s2  }
0x8f: {  	_ = 	snop  }
0x90: {  	s2 =	sld [smem:$0x3FC9]  }
0x91: {  	s18 =	sld [smem:$0x3FD0];
	(tm) =	ssettm $0x1  }
0x92: {  	s4 =	sld [smem:$0x3FFB];
	_ =	sdelay $0x3  }
0x93: {  	_ =	strace s4  }
0x94: {  	s4 =	sld [smem:$0x3FFC];
	_ =	sdelay $0x3  }
0x95: {  	_ =	strace s4  }
0x96: {  	s4 =	sld [smem:$0x3FFD];
	_ =	sdelay $0x3  }
0x97: {  	_ =	strace s4  }
0x98: {  	_ =	strace $0x8FFFFFFF  }
0x99: {  	s19 =	sld [smem:$0x3FDB];
	_ =	sdelay $0x1  }
0x9a: {  	s5 =	simm.s32 $_scs_section_size  }
0x9b: {  	s6 =	simm.s32 $_size__tile_overlayer_lowered;
	s7 =	simm.s32 $_tile_overlayer_lowered  }
0x9c: {  	s22 =	simm.s32 $0x1BFF;
	s21 =	sshll.u32 s7, $0x1;
	s4 =	sadd.s32 s5, s19  }
0x9d: {  	s8 =	simm.s32 $0x0;
	s20 =	sshll.u32 s6, $0x1;
	s6 =	sadd.s32 s21, s4  }
0x9e: {  	[timem:s8], [sflag:s22] =	dma.local [hbm:s6], s20  }
0x9f: {  	_ =	swait.ge [sflag:s22], s20  }
0xa0: {  	s5 =	ssub.s32 $0x0, s20;
	[sflag:s22] =	ssyncset.done $0x0  }
0xa1: {  	[sflag:s22] =	ssyncadd.s32 s5;
	_ =	sdelay $0x1  }
0xa2: {  	s23 =	simm.s32 $0x1B8B  }
0xa3: {  	_ =	swait.ge [sflag:s23], $0x1  }
0xa4: {  	[sflag:s23] =	ssyncset.done $0x0  }
0xa5: {  	s25 =	simm.s32 $0x1B8E;
	s24 =	sld [smem:$0x3FFE];
	[sflag:s23] =	ssyncadd.s32 $0xFFFFFFFF  }
0xa6: {  	s26 =	simm.s32 $execute0_lowered;
	[smem:$0x3FD2] =	sst s25  }
0xa7: {  	s6 =	sshll.u32 s26, $0x1;
	_ =	strace $0x80000046;
	[dreg:$0x1] =	wrdreg $0xFFFFFFFF  }
0xa8: {  	s28 =	simm.s32 $_size_execute0_lowered;
	s4 =	sadd.s32 s4, s6;
	[dreg:$0x0] =	wrdreg $0x0  }
0xa9: {  	s6 =	sshll.u32 s28, $0x1;
	[dreg:$0x2] =	wrdreg s4  }
0xaa: {  	[dreg:$0x3] =	wrdreg s6  }
0xab: {  	[dreg:$0x4] =	wrdreg $0xC0  }
0xac: {  	_ =	task [dreg:s8], $0x5FFFF  }
0xad: {  	[dreg:$0x1] =	wrdreg $0xFFFFFFFF  }
0xae: {  	[dreg:$0x0] =	wrdreg $0x60  }
0xaf: {  	[dreg:$0x2] =	wrdreg s2  }
0xb0: {  	[dreg:$0x3] =	wrdreg s24  }
0xb1: {  	[dreg:$0x4] =	wrdreg s18  }
0xb2: {  	[dreg:$0x5] =	wrdreg $0x9  }
0xb3: {  	_ =	task.clear_ibuf [dreg:s8], $0x6FFFF;
	_ =	strace $0x90000046  }
0xb4: {  	s29 =	simm.s32 $0x9;
	_ =	strace $0x80000048  }
0xb5: {  	_ =	swait.ge [sflag:s29], $0x1  }
0xb6: {  	[sflag:s29] =	ssyncadd.s32 $0xFFFFFFFF  }
0xb7: {  	_ =	strace $0x90000048  }
0xb8: {  	_ =	sfence  }
0xb9: {  	s30 =	sld [smem:$0x0];
	_ =	sdelay $0x2  }
0xba: {  	s31 =	sshll.u32 s1, $0xD;
	s1 =	sshrl.u32 s1, $0x2  }
0xbb: {  	s3 =	sand.u32 $0x4000, s31;
	s1 =	sadd.s32 s1, s30  }
0xbc: {  	s0 =	sor.u32 s3, s0;
	s1 =	sshll.u32 s1, $0x11  }
0xbd: {  	s0 =	sor.u32 s1, s0  }
0xbe: {  	s0 =	sadd.s32 $0x8F2B, s0  }
0xbf: {  	[sflag:s0] =	ssyncadd.remote.s32 $0x1  }
0xc0: {  	_ =	sfence.sel $0xFFFF  }
0xc1: {  	[dreg:$0x0] =	wrdreg $0xFFFFFFFF;
	(pc) =	sbr.abs _section_cstart, $3  }
0xc2: {  	[dreg:$0x1] =	wrdreg $0xFFFFFFFF  }
0xc3: {  	_ =	task.clear_ibuf [dreg:s8], $0x2FFFF;
	_ =	strace $0x9FFFFFFF  }
0xc4: {  	(tm) =	ssettm $0x7FFFFFFF  }
0xc5: {  	_ =	shalt  }
tec
execute0_lowered:
.L_overlay_start_1:
0x0: {  	(tag) =	ssettag $0x1  }
0x1: {  	s5 =	rddreg [dreg:$0x0]  }
0x2: {  	s0 =	rddreg [dreg:$0x1];
	s1 =	srdreg.scid  }
0x3: {  	s6 =	stileid.u32;
	s4 =	simm.s32 $0x0;
	s1 =	sand.u32 $0x1, s1  }
0x4: {  	s2 =	sshll.u32 s6, $0x1;
	[smem:$0x7FF] =	sst s4;
	s0 =	sadd.s32 $0x400, s0  }
0x5: {  	s23 =	sshll.u32 s6, $0x12;
	_ =	strace $0x80000047;
	[dreg:$0x8] =	wrdreg s0  }
0x6: {  	s2 =	sor.u32 s1, s2;
	s1 =	ssub.s32 $0x2, s1;
	[dreg:$0xc] =	wrdreg s23  }
0x7: {  	s3 =	sshll.u32 s2, $0xD;
	s20 =	sshrl.u32 s1, $0x1;
	s22 =	sshll.u32 s2, $0x2  }
0x8: {  	s0 =	ssub.s32 s1, s20;
	[dreg:$0xb] =	wrdreg s22;
	s1 =	sand.u32 $0x4, s22  }
0x9: {  	s3 =	sadd.s32 s5, s3;
	[dreg:$0xd] =	wrdreg s1  }
0xa: {  	s21 =	sadd.s32 $0x100, s3;
	[dreg:$0x9] =	wrdreg s3  }
0xb: {  	s0 =	smax.u32 s0, $0x1;
	[dreg:$0xa] =	wrdreg s21  }
0xc: {  	s24 =	sadd.s32 $0x10, s3;
	[dreg:$0xe] =	wrdreg s0  }
0xd: {  	s25 =	sadd.s32 $0x20, s3;
	[dreg:$0xf] =	wrdreg s24  }
0xe: {  	s26 =	sadd.s32 $0x30, s3;
	[dreg:$0x10] =	wrdreg s25  }
.Ltmp0:
0xf: {  	s28 =	sadd.s32 $0x40, s3;
	[dreg:$0x11] =	wrdreg s26;
	(pc) =	sbr.rel .LBB2_1-.Ltmp0, $4  }
0x10: {  	s29 =	sadd.s32 $0x50, s3;
	[dreg:$0x12] =	wrdreg s28  }
0x11: {  	s30 =	sadd.s32 $0x60, s3;
	[dreg:$0x13] =	wrdreg s29  }
0x12: {  	s31 =	sadd.s32 $0x70, s3;
	[dreg:$0x14] =	wrdreg s30  }
0x13: {  	s2 =	simm.s32 $0x4000;
	s3 =	simm.s32 $0x0;
	[dreg:$0x15] =	wrdreg s31  }
.LBB2_12:
0x14: {  	s0 =	simm.s32 $0x3  }
0x15: {  	_ =	swait.ge [sflag:s0], $0x8000  }
0x16: {  	[sflag:s0] =	ssyncset.done $0x0  }
0x17: {  	s1 =	simm.s32 $0x4;
	[sflag:s0] =	ssyncadd.s32 $0xFFFF8000  }
0x18: {  	_ =	swait.ge [sflag:s1], $0x8000  }
0x19: {  	s3 =	rddreg [dreg:$0x16]  }
0x1a: {  	s31 =	rddreg [dreg:$0xe];
	s3 =	sadd.s32 $0x1, s3  }
0x1b: {  	p0 =	sne.s32 s3, s31  }
.Ltmp1:
0x1c: {  	_ = 	snop;
	(pc) =	sbr.rel @!p0 .LBB2_13-.Ltmp1, $3  }
0x1d: {  	_ =	sdelay $0x1  }
0x1e: {  	[sflag:s1] =	ssyncset.done $0x0  }
0x1f: {  	[sflag:s1] =	ssyncadd.s32 $0xFFFF8000  }
.LBB2_1:
0x20: {  	[dreg:$0x16] =	wrdreg s3  }
0x21: {  	s0 =	rddreg [dreg:$0x8];
	s24 =	simm.s32 $0x5  }
0x22: {  	[tilespmem:s4], [sflag:$0x5] =	stream.linear.gather [hbm4b:s0+s4], $0x3F00, $0x38;
	[tilespmem:$0x14F00] =	vst v63  }
0x23: {  	_ =	swait.ge [sflag:s24], $0x3F00  }
0x24: {  	[sflag:s24] =	ssyncset.done $0x0  }
0x25: {  	s25 =	simm.s32 $0x3F00;
	s1 =	rddreg [dreg:$0x9];
	[sflag:s24] =	ssyncadd.s32 $0xFFFFC100  }
0x26: {  	[tilespmem:s25], [sflag:$0x1] =	stream.linear.gather [hbm4b:s1+s4], $0x80, $0x38;
	[tilespmem:$0x14F00] =	vst v63  }
0x27: {  	s26 =	rddreg [dreg:$0xf]  }
0x28: {  	[tilespmem:s2], [sflag:$0x1] =	stream.linear.gather [hbm4b:s26+s4], $0x80, $0x38;
	[tilespmem:$0x14F00] =	vst v63  }
0x29: {  	s29 =	simm.s32 $0x4100;
	s28 =	rddreg [dreg:$0x10]  }
0x2a: {  	[tilespmem:s29], [sflag:$0x1] =	stream.linear.gather [hbm4b:s28+s4], $0x80, $0x38;
	[tilespmem:$0x14F00] =	vst v63  }
0x2b: {  	s31 =	simm.s32 $0x4200;
	s30 =	rddreg [dreg:$0x11]  }
0x2c: {  	[tilespmem:s31], [sflag:$0x1] =	stream.linear.gather [hbm4b:s30+s4], $0x80, $0x38;
	[tilespmem:$0x14F00] =	vst v63  }
0x2d: {  	s5 =	simm.s32 $0x4300;
	s3 =	rddreg [dreg:$0x12]  }
0x2e: {  	[tilespmem:s5], [sflag:$0x1] =	stream.linear.gather [hbm4b:s3+s4], $0x80, $0x38;
	[tilespmem:$0x14F00] =	vst v63  }
0x2f: {  	s7 =	simm.s32 $0x4400;
	s6 =	rddreg [dreg:$0x13]  }
0x30: {  	[tilespmem:s7], [sflag:$0x1] =	stream.linear.gather [hbm4b:s6+s4], $0x80, $0x38;
	[tilespmem:$0x14F00] =	vst v63  }
0x31: {  	s9 =	simm.s32 $0x4500;
	s8 =	rddreg [dreg:$0x14]  }
0x32: {  	[tilespmem:s9], [sflag:$0x1] =	stream.linear.gather [hbm4b:s8+s4], $0x80, $0x38;
	[tilespmem:$0x14F00] =	vst v63  }
0x33: {  	s11 =	simm.s32 $0x4600;
	s10 =	rddreg [dreg:$0x15]  }
0x34: {  	[tilespmem:s11], [sflag:$0x1] =	stream.linear.gather [hbm4b:s10+s4], $0x80, $0x38;
	[tilespmem:$0x14F00] =	vst v63  }
0x35: {  	s13 =	simm.s32 $0x4700;
	s12 =	sadd.s32 $0x80, s1  }
0x36: {  	[tilespmem:s13], [sflag:$0x1] =	stream.linear.gather [hbm4b:s12+s4], $0x80, $0x38;
	[tilespmem:$0x14F00] =	vst v63  }
0x37: {  	s15 =	simm.s32 $0x4800;
	s14 =	sadd.s32 $0x90, s1  }
0x38: {  	[tilespmem:s15], [sflag:$0x1] =	stream.linear.gather [hbm4b:s14+s4], $0x80, $0x38;
	[tilespmem:$0x14F00] =	vst v63  }
0x39: {  	s17 =	simm.s32 $0x4900;
	s16 =	sadd.s32 $0xA0, s1  }
0x3a: {  	[tilespmem:s17], [sflag:$0x1] =	stream.linear.gather [hbm4b:s16+s4], $0x80, $0x38;
	[tilespmem:$0x14F00] =	vst v63  }
0x3b: {  	s19 =	simm.s32 $0x4A00;
	s18 =	sadd.s32 $0xB0, s1  }
0x3c: {  	[tilespmem:s19], [sflag:$0x1] =	stream.linear.gather [hbm4b:s18+s4], $0x80, $0x38;
	[tilespmem:$0x14F00] =	vst v63  }
0x3d: {  	s21 =	simm.s32 $0x4B00;
	s20 =	sadd.s32 $0xC0, s1  }
0x3e: {  	[tilespmem:s21], [sflag:$0x1] =	stream.linear.gather [hbm4b:s20+s4], $0x80, $0x38;
	[tilespmem:$0x14F00] =	vst v63  }
0x3f: {  	s23 =	simm.s32 $0x4C00;
	s22 =	sadd.s32 $0xD0, s1  }
0x40: {  	[tilespmem:s23], [sflag:$0x1] =	stream.linear.gather [hbm4b:s22+s4], $0x80, $0x38;
	[tilespmem:$0x14F00] =	vst v63  }
0x41: {  	s24 =	sadd.s32 $0xE0, s1;
	s25 =	simm.s32 $0x4D00  }
0x42: {  	[tilespmem:s25], [sflag:$0x1] =	stream.linear.gather [hbm4b:s24+s4], $0x80, $0x38;
	[tilespmem:$0x14F00] =	vst v63  }
0x43: {  	s26 =	sadd.s32 $0xF0, s1;
	s28 =	simm.s32 $0x4E00  }
0x44: {  	[tilespmem:s28], [sflag:$0x1] =	stream.linear.gather [hbm4b:s26+s4], $0x80, $0x38;
	[tilespmem:$0x14F00] =	vst v63  }
0x45: {  	s1 =	rddreg [dreg:$0xa];
	s29 =	simm.s32 $0x3F80  }
0x46: {  	[tilespmem:s29], [sflag:$0x2] =	stream.linear.gather [hbm4b:s1+s4], $0x80, $0x38;
	[tilespmem:$0x14F00] =	vst v63  }
0x47: {  	s30 =	sadd.s32 $0x10, s1;
	s31 =	simm.s32 $0x4080  }
0x48: {  	[tilespmem:s31], [sflag:$0x2] =	stream.linear.gather [hbm4b:s30+s4], $0x80, $0x38;
	[tilespmem:$0x14F00] =	vst v63  }
0x49: {  	s2 =	sadd.s32 $0x20, s1;
	s3 =	simm.s32 $0x4180  }
0x4a: {  	[tilespmem:s3], [sflag:$0x2] =	stream.linear.gather [hbm4b:s2+s4], $0x80, $0x38;
	[tilespmem:$0x14F00] =	vst v63  }
0x4b: {  	s5 =	sadd.s32 $0x30, s1;
	s6 =	simm.s32 $0x4280  }
0x4c: {  	[tilespmem:s6], [sflag:$0x2] =	stream.linear.gather [hbm4b:s5+s4], $0x80, $0x38;
	[tilespmem:$0x14F00] =	vst v63  }
0x4d: {  	s7 =	sadd.s32 $0x40, s1;
	s8 =	simm.s32 $0x4380  }
0x4e: {  	[tilespmem:s8], [sflag:$0x2] =	stream.linear.gather [hbm4b:s7+s4], $0x80, $0x38;
	[tilespmem:$0x14F00] =	vst v63  }
0x4f: {  	s9 =	sadd.s32 $0x50, s1;
	s10 =	simm.s32 $0x4480  }
0x50: {  	[tilespmem:s10], [sflag:$0x2] =	stream.linear.gather [hbm4b:s9+s4], $0x80, $0x38;
	[tilespmem:$0x14F00] =	vst v63  }
0x51: {  	s11 =	sadd.s32 $0x60, s1;
	s12 =	simm.s32 $0x4580  }
0x52: {  	[tilespmem:s12], [sflag:$0x2] =	stream.linear.gather [hbm4b:s11+s4], $0x80, $0x38;
	[tilespmem:$0x14F00] =	vst v63  }
0x53: {  	s13 =	sadd.s32 $0x70, s1;
	s14 =	simm.s32 $0x4680  }
0x54: {  	[tilespmem:s14], [sflag:$0x2] =	stream.linear.gather [hbm4b:s13+s4], $0x80, $0x38;
	[tilespmem:$0x14F00] =	vst v63  }
0x55: {  	s15 =	sadd.s32 $0x80, s1;
	s16 =	simm.s32 $0x4780  }
0x56: {  	[tilespmem:s16], [sflag:$0x2] =	stream.linear.gather [hbm4b:s15+s4], $0x80, $0x38;
	[tilespmem:$0x14F00] =	vst v63  }
0x57: {  	s17 =	sadd.s32 $0x90, s1;
	s18 =	simm.s32 $0x4880  }
0x58: {  	[tilespmem:s18], [sflag:$0x2] =	stream.linear.gather [hbm4b:s17+s4], $0x80, $0x38;
	[tilespmem:$0x14F00] =	vst v63  }
0x59: {  	s19 =	sadd.s32 $0xA0, s1;
	s20 =	simm.s32 $0x4980  }
0x5a: {  	[tilespmem:s20], [sflag:$0x2] =	stream.linear.gather [hbm4b:s19+s4], $0x80, $0x38;
	[tilespmem:$0x14F00] =	vst v63  }
0x5b: {  	s21 =	sadd.s32 $0xB0, s1;
	s22 =	simm.s32 $0x4A80  }
0x5c: {  	[tilespmem:s22], [sflag:$0x2] =	stream.linear.gather [hbm4b:s21+s4], $0x80, $0x38;
	[tilespmem:$0x14F00] =	vst v63  }
0x5d: {  	s23 =	sadd.s32 $0xC0, s1;
	s24 =	simm.s32 $0x4B80  }
0x5e: {  	[tilespmem:s24], [sflag:$0x2] =	stream.linear.gather [hbm4b:s23+s4], $0x80, $0x38;
	[tilespmem:$0x14F00] =	vst v63  }
0x5f: {  	s25 =	sadd.s32 $0xD0, s1;
	s26 =	simm.s32 $0x4C80  }
0x60: {  	[tilespmem:s26], [sflag:$0x2] =	stream.linear.gather [hbm4b:s25+s4], $0x80, $0x38;
	[tilespmem:$0x14F00] =	vst v63  }
0x61: {  	s28 =	sadd.s32 $0xE0, s1;
	s29 =	simm.s32 $0x4D80  }
0x62: {  	[tilespmem:s29], [sflag:$0x2] =	stream.linear.gather [hbm4b:s28+s4], $0x80, $0x38;
	[tilespmem:$0x14F00] =	vst v63  }
0x63: {  	s30 =	sadd.s32 $0xF0, s1;
	s31 =	simm.s32 $0x4E80;
	s5 =	simm.s32 $0x0  }
0x64: {  	[tilespmem:s31], [sflag:$0x2] =	stream.linear.gather [hbm4b:s30+s4], $0x80, $0x38;
	[tilespmem:$0x14F00] =	vst v63  }
.LBB2_2:
0x65: {  	s0 =	simm.s32 $0x1  }
0x66: {  	_ =	swait.ge [sflag:s0], $0x800  }
0x67: {  	p0 =	seq.s32 s5, $0x0;
	[sflag:s0] =	ssyncset.done $0x0  }
0x68: {  	s1 =	simm.s32 $0x0;
	[sflag:s0] =	ssyncadd.s32 $0xFFFFF800;
	s0 =	simm.s32 @!p0 $0x3  }
0x69: {  	s2 =	sand.u32 $0x60, s1;
	s3 =	sand.u32 $0xF00, s1;
	_ =	swait.ge @!p0 [sflag:s0], $0x8000  }
0x6a: {  	s3 =	sadd.s32 $0x3F00, s3;
	s7 =	sor.u32 $0x10, s2;
	[sflag:s0] =	ssyncset.done @!p0 $0x0  }
0x6b: {  	s13 =	sor.u32 s7, s3;
	[sflag:s0] =	ssyncadd.s32 @!p0 $0xFFFF8000  }
0x6c: {  	v0 =	vld [tilespmem:s13+$0x0];
	_ =	sdelay $0x4  }
0x6d: {  	v1 =	vadd.s32 $0x3F0, v0  }
0x6e: {  	v2 =	vadd.s32 $0x7E0, v0  }
0x6f: {  	s14 =	sor.u32 s2, s3;
	v3 =	vadd.s32 $0xBD0, v0  }
0x70: {  	v7 =	vld [tilespmem:s14+$0x0];
	v4 =	vadd.s32 $0xFC0, v0  }
0x71: {  	v6 =	vadd.s32 $0x13B0, v0;
	v5 =	vld.idx.msk [tilespmem:v0+s4+$0x0], $0xffff  }
0x72: {  	v8 =	vadd.s32 $0x17A0, v0;
	v1 =	vld.idx.msk [tilespmem:v1+s4+$0x0], $0xffff  }
0x73: {  	v9 =	vadd.s32 $0x1B90, v0;
	v2 =	vld.idx.msk [tilespmem:v2+s4+$0x0], $0xffff  }
0x74: {  	v10 =	vadd.s32 $0x1F80, v0;
	v3 =	vld.idx.msk [tilespmem:v3+s4+$0x0], $0xffff  }
0x75: {  	v11 =	vadd.s32 $0x2370, v0;
	v4 =	vld.idx.msk [tilespmem:v4+s4+$0x0], $0xffff  }
0x76: {  	v12 =	vadd.s32 $0x2760, v0;
	v6 =	vld.idx.msk [tilespmem:v6+s4+$0x0], $0xffff  }
0x77: {  	v13 =	vadd.s32 $0x2B50, v0;
	v8 =	vld.idx.msk [tilespmem:v8+s4+$0x0], $0xffff  }
0x78: {  	v14 =	vadd.s32 $0x2F40, v0;
	v9 =	vld.idx.msk [tilespmem:v9+s4+$0x0], $0xffff  }
0x79: {  	v15 =	vadd.s32 $0x3330, v0;
	v10 =	vld.idx.msk [tilespmem:v10+s4+$0x0], $0xffff  }
0x7a: {  	v16 =	vadd.s32 $0x3720, v0;
	v11 =	vld.idx.msk [tilespmem:v11+s4+$0x0], $0xffff  }
0x7b: {  	v17 =	vadd.s32 $0x3F0, v7;
	v12 =	vld.idx.msk [tilespmem:v12+s4+$0x0], $0xffff  }
0x7c: {  	v18 =	vadd.s32 $0x7E0, v7;
	v13 =	vld.idx.msk [tilespmem:v13+s4+$0x0], $0xffff  }
0x7d: {  	v19 =	vadd.s32 $0xBD0, v7;
	v14 =	vld.idx.msk [tilespmem:v14+s4+$0x0], $0xffff  }
0x7e: {  	v20 =	vadd.s32 $0xFC0, v7;
	v15 =	vld.idx.msk [tilespmem:v15+s4+$0x0], $0xffff  }
0x7f: {  	v21 =	vadd.s32 $0x13B0, v7;
	v16 =	vld.idx.msk [tilespmem:v16+s4+$0x0], $0xffff  }
0x80: {  	v23 =	vadd.s32 $0x1B90, v7;
	v17 =	vld.idx.msk [tilespmem:v17+s4+$0x0], $0xffff  }
0x81: {  	v24 =	vadd.s32 $0x1F80, v7;
	v18 =	vld.idx.msk [tilespmem:v18+s4+$0x0], $0xffff  }
0x82: {  	v25 =	vadd.s32 $0x2370, v7;
	v19 =	vld.idx.msk [tilespmem:v19+s4+$0x0], $0xffff  }
0x83: {  	v27 =	vld.idx.msk [tilespmem:v20+s4+$0x0], $0xffff  }
0x84: {  	s8 =	simm.s32 $0x40;
	s9 =	sand.u32 $0x780, s1;
	s1 =	simm.s32 $0x20;
	v0 =	vadd.s32 $0x3B10, v0;
	v28 =	vld.idx.msk [tilespmem:v21+s4+$0x0], $0xffff  }
0x85: {  	s8 =	sand.u32 $0xF00, s8;
	s16 =	sand.u32 $0x60, s1;
	v32 =	vld.idx.msk [tilespmem:v23+s4+$0x0], $0xffff  }
0x86: {  	s8 =	sadd.s32 $0x3F00, s8;
	s18 =	sor.u32 $0x10, s16;
	v20 =	vadd.s32 $0x2760, v7;
	v33 =	vld.idx.msk [tilespmem:v24+s4+$0x0], $0xffff  }
0x87: {  	s13 =	sor.u32 s18, s8;
	v21 =	vadd.s32 $0x2B50, v7;
	v25 =	vld.idx.msk [tilespmem:v25+s4+$0x0], $0xffff  }
0x88: {  	s0 =	sadd.s32 $0x4F00, s9;
	v23 =	vadd.s32 $0x2F40, v7;
	v24 =	vld [tilespmem:s13+$0x0]  }
0x89: {  	s3 =	sadd.s32 $0x5700, s9;
	s11 =	sor.u32 s7, s0;
	v22 =	vld.idx.msk [tilespmem:v0+s4+$0x0], $0xffff;
	v0 =	vadd.s32 $0x17A0, v7  }
0x8a: {  	s10 =	sadd.s32 $0x5F00, s9;
	s12 =	sor.u32 s7, s3;
	v26 =	vadd.s32 $0x3720, v7;
	v29 =	vadd.s32 $0x3B10, v7;
	[tilespmem:s11+$0x0] =	vst v5;
	v5 =	vadd.s32 $0x3330, v7;
	v7 =	vld.idx.msk [tilespmem:v7+s4+$0x0], $0xffff  }
0x8b: {  	s14 =	sor.u32 s7, s10;
	s11 =	sadd.s32 $0x6700, s9;
	[tilespmem:s12+$0x0] =	vst v1;
	v1 =	vld.idx.msk [tilespmem:v20+s4+$0x0], $0xffff  }
0x8c: {  	s15 =	sor.u32 s7, s11;
	[tilespmem:s14+$0x0] =	vst v2;
	v2 =	vld.idx.msk [tilespmem:v21+s4+$0x0], $0xffff  }
0x8d: {  	s12 =	sadd.s32 $0x6F00, s9;
	[tilespmem:s15+$0x0] =	vst v3;
	v3 =	vld.idx.msk [tilespmem:v23+s4+$0x0], $0xffff  }
0x8e: {  	s13 =	sadd.s32 $0x7700, s9;
	s17 =	sor.u32 s7, s12;
	v31 =	vld.idx.msk [tilespmem:v0+s4+$0x0], $0xffff  }
0x8f: {  	s19 =	sor.u32 s7, s13;
	[tilespmem:s17+$0x0] =	vst v4;
	v4 =	vld.idx.msk [tilespmem:v5+s4+$0x0], $0xffff  }
0x90: {  	s0 =	sor.u32 s2, s0;
	s14 =	sadd.s32 $0x7F00, s9;
	v5 =	vld.idx.msk [tilespmem:v26+s4+$0x0], $0xffff;
	[tilespmem:s19+$0x0] =	vst v6  }
0x91: {  	v20 =	vadd.s32 $0x13B0, v24;
	s15 =	sadd.s32 $0x8700, s9;
	s20 =	sor.u32 s7, s14;
	v6 =	vld.idx.msk [tilespmem:v29+s4+$0x0], $0xffff;
	[tilespmem:s0+$0x0] =	vst v7  }
0x92: {  	s17 =	sadd.s32 $0x8F00, s9;
	s21 =	sor.u32 s7, s15;
	[tilespmem:s20+$0x0] =	vst v8  }
0x93: {  	s19 =	sadd.s32 $0x9700, s9;
	s22 =	sor.u32 s7, s17;
	v8 =	vadd.s32 $0x3F0, v24;
	[tilespmem:s21+$0x0] =	vst v9  }
0x94: {  	s8 =	sor.u32 s16, s8;
	s20 =	sadd.s32 $0x9F00, s9;
	s23 =	sor.u32 s7, s19;
	v9 =	vadd.s32 $0x7E0, v24;
	[tilespmem:s22+$0x0] =	vst v10  }
0x95: {  	v0 =	vld [tilespmem:s8+$0x0];
	s21 =	sadd.s32 $0xA700, s9;
	s24 =	sor.u32 s7, s20;
	[tilespmem:s23+$0x0] =	vst v11;
	v11 =	vadd.s32 $0xFC0, v24  }
0x96: {  	v30 =	vld.idx.msk [tilespmem:v20+s4+$0x0], $0xffff;
	v10 =	vadd.s32 $0xBD0, v24;
	s22 =	sadd.s32 $0xAF00, s9;
	s25 =	sor.u32 s7, s21;
	[tilespmem:s24+$0x0] =	vst v12  }
0x97: {  	s23 =	sadd.s32 $0xB700, s9;
	s26 =	sor.u32 s7, s22;
	v12 =	vld.idx.msk [tilespmem:v24+s4+$0x0], $0xffff;
	[tilespmem:s25+$0x0] =	vst v13;
	v13 =	vadd.s32 $0x17A0, v24  }
0x98: {  	s31 =	sor.u32 s7, s23;
	v8 =	vld.idx.msk [tilespmem:v8+s4+$0x0], $0xffff;
	[tilespmem:s26+$0x0] =	vst v14;
	v14 =	vadd.s32 $0x1B90, v24  }
0x99: {  	s3 =	sor.u32 s2, s3;
	v9 =	vld.idx.msk [tilespmem:v9+s4+$0x0], $0xffff;
	[tilespmem:s31+$0x0] =	vst v15;
	v15 =	vadd.s32 $0x1F80, v24  }
0x9a: {  	s10 =	sor.u32 s2, s10;
	[tilespmem:s3+$0x0] =	vst v17;
	s25 =	sadd.s32 $0xBF00, s9;
	v34 =	vld.idx.msk [tilespmem:v11+s4+$0x0], $0xffff;
	v11 =	vadd.s32 $0x2370, v24  }
0x9b: {  	[tilespmem:s10+$0x0] =	vst v18;
	s6 =	sor.u32 s7, s25;
	v10 =	vld.idx.msk [tilespmem:v10+s4+$0x0], $0xffff  }
0x9c: {  	s11 =	sor.u32 s2, s11;
	s9 =	sadd.s32 $0xC700, s9;
	[tilespmem:s6+$0x0] =	vst v16;
	v16 =	vadd.s32 $0x2760, v24;
	v29 =	vld.idx.msk [tilespmem:v13+s4+$0x0], $0xffff  }
0x9d: {  	v7 =	vadd.s32 $0x2B50, v24;
	[tilespmem:s11+$0x0] =	vst v19;
	s7 =	sor.u32 s7, s9;
	v26 =	vld.idx.msk [tilespmem:v14+s4+$0x0], $0xffff  }
0x9e: {  	[tilespmem:s7+$0x0] =	vst v22;
	v13 =	vadd.s32 $0x2F40, v24;
	v23 =	vld.idx.msk [tilespmem:v15+s4+$0x0], $0xffff  }
0x9f: {  	s24 =	sshll.u32 s5, $0x1;
	v14 =	vadd.s32 $0x3330, v24;
	v20 =	vld.idx.msk [tilespmem:v11+s4+$0x0], $0xffff;
	[dreg:$0x17] =	wrdreg s5  }
0xa0: {  	s12 =	sor.u32 s2, s12;
	v15 =	vadd.s32 $0x3B10, v24;
	[dreg:$0x18] =	wrdreg s24  }
0xa1: {  	s28 =	simm.s32 $0x80;
	s26 =	sor.u32 s2, s13;
	v11 =	vadd.s32 $0x3720, v24;
	[tilespmem:s12+$0x0] =	vst v27;
	v21 =	vld.idx.msk [tilespmem:v16+s4+$0x0], $0xffff  }
0xa2: {  	s29 =	simm.s32 $0x40;
	s30 =	sor.u32 s2, s23;
	s31 =	sor.u32 s2, s14;
	v22 =	vld.idx.msk [tilespmem:v7+s4+$0x0], $0xffff;
	[tilespmem:s26+$0x0] =	vst v28  }
0xa3: {  	s23 =	simm.s32 $0x2;
	s14 =	sand.u32 $0x780, s1;
	s5 =	sor.u32 s2, s15;
	v7 =	vadd.s32 $0x3F0, v0;
	v24 =	vld.idx.msk [tilespmem:v13+s4+$0x0], $0xffff;
	[tilespmem:s31+$0x0] =	vst v31  }
0xa4: {  	s13 =	sor.u32 s2, s21;
	s6 =	sor.u32 s2, s17;
	s8 =	sadd.s32 $0x4F00, s14;
	v13 =	vadd.s32 $0x7E0, v0;
	v27 =	vld.idx.msk [tilespmem:v14+s4+$0x0], $0xffff;
	[tilespmem:s5+$0x0] =	vst v32  }
0xa5: {  	s21 =	sor.u32 s2, s22;
	s1 =	sadd.s32 $0x5700, s14;
	s0 =	sor.u32 s18, s8;
	v14 =	vadd.s32 $0xBD0, v0;
	v32 =	vld.idx.msk [tilespmem:v15+s4+$0x0], $0xffff;
	[tilespmem:s6+$0x0] =	vst v33  }
0xa6: {  	v63 =	vadd.s32 $0xFC0, v0;
	s11 =	sadd.s32 $0x6700, s14;
	s3 =	sadd.s32 $0x7F00, s14;
	s7 =	sor.u32 s2, s19;
	v31 =	vld.idx.msk [tilespmem:v11+s4+$0x0], $0xffff;
	[tilespmem:s0+$0x0] =	vst v12  }
0xa7: {  	s10 =	sor.u32 s18, s1;
	s12 =	sor.u32 s2, s9;
	s9 =	sadd.s32 $0x5F00, s14;
	[tilespmem:s7+$0x0] =	vst v25  }
0xa8: {  	v19 =	vadd.s32 $0x17A0, v0;
	s19 =	sor.u32 s2, s20;
	s17 =	sor.u32 s16, s8;
	v28 =	vadd.s32 $0x13B0, v0;
	s15 =	sor.u32 s18, s9;
	v7 =	vld.idx.msk [tilespmem:v7+s4+$0x0], $0xffff;
	[tilespmem:s10+$0x0] =	vst v8  }
0xa9: {  	v18 =	vadd.s32 $0x1F80, v0;
	v17 =	vadd.s32 $0x2370, v0;
	s22 =	sor.u32 s18, s11;
	s24 =	sor.u32 s2, s25;
	s2 =	sadd.s32 $0x6F00, s14;
	v16 =	vadd.s32 $0x2B50, v0;
	v8 =	vld.idx.msk [tilespmem:v13+s4+$0x0], $0xffff;
	[tilespmem:s15+$0x0] =	vst v9  }
0xaa: {  	s20 =	sor.u32 s16, s1;
	s1 =	sadd.s32 $0x7700, s14;
	s31 =	sor.u32 s18, s2;
	v15 =	vadd.s32 $0x2760, v0;
	v12 =	vadd.s32 $0x3720, v0;
	v25 =	vadd.s32 $0x1B90, v0;
	v9 =	vld.idx.msk [tilespmem:v14+s4+$0x0], $0xffff;
	[tilespmem:s22+$0x0] =	vst v10  }
0xab: {  	s25 =	sor.u32 s16, s9;
	s26 =	sor.u32 s16, s11;
	v11 =	vadd.s32 $0x3B10, v0;
	s0 =	sor.u32 s18, s1;
	v13 =	vadd.s32 $0x2F40, v0;
	v14 =	vadd.s32 $0x3330, v0;
	v10 =	vld.idx.msk [tilespmem:v63+s4+$0x0], $0xffff;
	[tilespmem:s31+$0x0] =	vst v34  }
.LBB2_3:
0xac: {  	_ = 	snop  }
0xad: {  	v33 =	vld.idx.msk [tilespmem:v28+s4+$0x0], $0xffff  }
0xae: {  	v34 =	vld.idx.msk [tilespmem:v19+s4+$0x0], $0xffff  }
0xaf: {  	[dreg:$0x5] =	wrdreg s17;
	s15 =	sand.u32 $0x60, s29;
	v35 =	vld.idx.msk [tilespmem:v25+s4+$0x0], $0xffff  }
0xb0: {  	s8 =	sadd.s32 $0x8700, s14;
	[tilespmem:s0+$0x0] =	vst v30;
	s10 =	sor.u32 s18, s3;
	s17 =	smov.u32 s12;
	v37 =	vld.idx.msk [tilespmem:v18+s4+$0x0], $0xffff  }
0xb1: {  	s12 =	smov.u32 s30;
	s30 =	sadd.s32 $0x8F00, s14;
	v36 =	vld.idx.msk [tilespmem:v17+s4+$0x0], $0xffff;
	[tilespmem:s10+$0x0] =	vst v29;
	s11 =	sor.u32 s18, s8  }
0xb2: {  	s9 =	sand.u32 $0xF00, s28;
	s31 =	sadd.s32 $0x9700, s14;
	v15 =	vld.idx.msk [tilespmem:v15+s4+$0x0], $0xffff;
	s22 =	sor.u32 s18, s30;
	[tilespmem:s11+$0x0] =	vst v26  }
0xb3: {  	v16 =	vld.idx.msk [tilespmem:v16+s4+$0x0], $0xffff;
	s9 =	sadd.s32 $0x3F00, s9;
	s6 =	sor.u32 s18, s31;
	s11 =	sor.u32 $0x10, s15;
	[tilespmem:s22+$0x0] =	vst v23  }
0xb4: {  	s5 =	sadd.s32 $0x9F00, s14;
	v13 =	vld.idx.msk [tilespmem:v13+s4+$0x0], $0xffff;
	s10 =	sor.u32 s11, s9;
	[tilespmem:s6+$0x0] =	vst v20  }
0xb5: {  	s7 =	sadd.s32 $0xA700, s14;
	s22 =	sor.u32 s18, s5;
	v38 =	vld [tilespmem:s10+$0x0]  }
0xb6: {  	v14 =	vld.idx.msk [tilespmem:v14+s4+$0x0], $0xffff;
	s9 =	sor.u32 s15, s9;
	[tilespmem:s22+$0x0] =	vst v21;
	s22 =	sor.u32 s18, s7  }
0xb7: {  	s6 =	sadd.s32 $0xAF00, s14;
	v17 =	vld [tilespmem:s9+$0x0];
	[tilespmem:s22+$0x0] =	vst v22  }
0xb8: {  	s2 =	sor.u32 s16, s2;
	s10 =	sor.u32 s18, s6;
	v22 =	vld.idx.msk [tilespmem:v12+s4+$0x0], $0xffff;
	[tilespmem:s19+$0x0] =	vst v1  }
0xb9: {  	[dreg:$0x7] =	wrdreg s2;
	s2 =	smov.u32 s20;
	s20 =	sadd.s32 $0xB700, s14;
	[tilespmem:s10+$0x0] =	vst v24  }
0xba: {  	s9 =	sor.u32 s18, s20;
	s22 =	sadd.s32 $0xBF00, s14;
	v24 =	vld.idx.msk [tilespmem:v11+s4+$0x0], $0xffff;
	[tilespmem:s13+$0x0] =	vst v2;
	v20 =	vadd.s32 $0x3F0, v38  }
0xbb: {  	s14 =	sadd.s32 $0xC700, s14;
	[tilespmem:s9+$0x0] =	vst v27;
	s9 =	sor.u32 s18, s22;
	v21 =	vadd.s32 $0x7E0, v38  }
0xbc: {  	s18 =	sor.u32 s18, s14;
	[tilespmem:s9+$0x0] =	vst v31;
	v23 =	vadd.s32 $0xBD0, v38  }
0xbd: {  	v27 =	vld.idx.msk [tilespmem:v0+s4+$0x0], $0xffff;
	[tilespmem:s18+$0x0] =	vst v32;
	v26 =	vadd.s32 $0xFC0, v38  }
0xbe: {  	v29 =	vadd.s32 $0x13B0, v38;
	v43 =	vld.idx.msk [tilespmem:v38+s4+$0x0], $0xffff  }
0xbf: {  	[tilespmem:s21+$0x0] =	vst v3;
	v44 =	vld.idx.msk [tilespmem:v20+s4+$0x0], $0xffff;
	v20 =	vadd.s32 $0x17A0, v38  }
0xc0: {  	[tilespmem:s12+$0x0] =	vst v4;
	v45 =	vld.idx.msk [tilespmem:v21+s4+$0x0], $0xffff;
	v21 =	vadd.s32 $0x1B90, v38  }
0xc1: {  	[tilespmem:s24+$0x0] =	vst v5;
	v46 =	vld.idx.msk [tilespmem:v23+s4+$0x0], $0xffff;
	v23 =	vadd.s32 $0x1F80, v38  }
0xc2: {  	s9 =	sor.u32 s16, s31;
	s31 =	rddreg [dreg:$0x5];
	[tilespmem:s17+$0x0] =	vst v6;
	v5 =	vmov v22;
	v22 =	vadd.s32 $0x2370, v38;
	v47 =	vld.idx.msk [tilespmem:v26+s4+$0x0], $0xffff  }
0xc3: {  	v6 =	vmov v24;
	v24 =	vadd.s32 $0x2760, v38;
	[tilespmem:s31+$0x0] =	vst v27;
	v30 =	vld.idx.msk [tilespmem:v29+s4+$0x0], $0xffff  }
0xc4: {  	s1 =	sor.u32 s16, s1;
	s23 =	sadd.s32 $0x2, s23;
	s28 =	sadd.s32 $0x40, s28;
	v27 =	vadd.s32 $0x2B50, v38;
	[tilespmem:s2+$0x0] =	vst v7;
	v29 =	vld.idx.msk [tilespmem:v20+s4+$0x0], $0xffff  }
0xc5: {  	s0 =	sor.u32 s16, s8;
	p1 =	slt.u32 s23, $0x7E;
	s6 =	sor.u32 s16, s6;
	v7 =	vadd.s32 $0x2F40, v38;
	[tilespmem:s25+$0x0] =	vst v8;
	v26 =	vld.idx.msk [tilespmem:v21+s4+$0x0], $0xffff  }
0xc6: {  	s5 =	sor.u32 s16, s5;
	s21 =	smov.u32 s6;
	s6 =	rddreg [dreg:$0x7];
	v8 =	vadd.s32 $0x3330, v38;
	[tilespmem:s26+$0x0] =	vst v9;
	v23 =	vld.idx.msk [tilespmem:v23+s4+$0x0], $0xffff  }
0xc7: {  	s20 =	sor.u32 s16, s20;
	s7 =	sor.u32 s16, s7;
	s19 =	smov.u32 s5;
	v9 =	vadd.s32 $0x3720, v38;
	[tilespmem:s6+$0x0] =	vst v10;
	v20 =	vld.idx.msk [tilespmem:v22+s4+$0x0], $0xffff  }
0xc8: {  	s10 =	sor.u32 s16, s3;
	s3 =	sor.u32 s16, s30;
	s13 =	smov.u32 s7;
	v10 =	vadd.s32 $0x3B10, v38;
	[tilespmem:s1+$0x0] =	vst v33;
	v21 =	vld.idx.msk [tilespmem:v24+s4+$0x0], $0xffff  }
0xc9: {  	s30 =	smov.u32 s20;
	s22 =	sor.u32 s16, s22;
	s14 =	sor.u32 s16, s14;
	v39 =	vadd.s32 $0x3F0, v17;
	[tilespmem:s10+$0x0] =	vst v34;
	v22 =	vld.idx.msk [tilespmem:v27+s4+$0x0], $0xffff  }
0xca: {  	v40 =	vadd.s32 $0x7E0, v17;
	s16 =	smov.u32 s15;
	s12 =	smov.u32 s14;
	s14 =	sand.u32 $0x780, s29;
	v24 =	vld.idx.msk [tilespmem:v7+s4+$0x0], $0xffff;
	[tilespmem:s0+$0x0] =	vst v35  }
0xcb: {  	v41 =	vadd.s32 $0xBD0, v17;
	s29 =	sadd.s32 $0x20, s29;
	s18 =	smov.u32 s11;
	s7 =	sadd.s32 $0x4F00, s14;
	v27 =	vld.idx.msk [tilespmem:v8+s4+$0x0], $0xffff;
	[tilespmem:s3+$0x0] =	vst v37  }
0xcc: {  	v42 =	vadd.s32 $0xFC0, v17;
	s24 =	smov.u32 s22;
	s8 =	sadd.s32 $0x5700, s14;
	s0 =	sor.u32 s18, s7;
	v31 =	vld.idx.msk [tilespmem:v9+s4+$0x0], $0xffff;
	[tilespmem:s9+$0x0] =	vst v36  }
.Ltmp2:
0xcd: {  	s10 =	sor.u32 s18, s8;
	s9 =	sadd.s32 $0x5F00, s14;
	v32 =	vld.idx.msk [tilespmem:v10+s4+$0x0], $0xffff;
	[tilespmem:s0+$0x0] =	vst v43;
	(pc) =	sbr.rel @p1 .LBB2_3-.Ltmp2, $4  }
0xce: {  	v28 =	vadd.s32 $0x13B0, v17;
	v19 =	vadd.s32 $0x17A0, v17;
	v0 =	vmov v17;
	s11 =	sadd.s32 $0x6700, s14;
	s17 =	sor.u32 s16, s7;
	v7 =	vld.idx.msk [tilespmem:v39+s4+$0x0], $0xffff;
	[tilespmem:s10+$0x0] =	vst v44;
	s15 =	sor.u32 s18, s9  }
0xcf: {  	v1 =	vmovc v15;
	v25 =	vadd.s32 $0x1B90, v0;
	v18 =	vadd.s32 $0x1F80, v0;
	v17 =	vadd.s32 $0x2370, v0;
	s20 =	sor.u32 s16, s8;
	s22 =	sor.u32 s18, s11;
	s2 =	sadd.s32 $0x6F00, s14;
	v8 =	vld.idx.msk [tilespmem:v40+s4+$0x0], $0xffff;
	[tilespmem:s15+$0x0] =	vst v45  }
0xd0: {  	v2 =	vmovc v16;
	v3 =	vmovc v13;
	v15 =	vadd.s32 $0x2760, v0;
	v16 =	vadd.s32 $0x2B50, v0;
	v13 =	vadd.s32 $0x2F40, v0;
	s31 =	sor.u32 s18, s2;
	s26 =	sor.u32 s16, s11;
	s1 =	sadd.s32 $0x7700, s14;
	v9 =	vld.idx.msk [tilespmem:v41+s4+$0x0], $0xffff;
	[tilespmem:s22+$0x0] =	vst v46  }
0xd1: {  	v4 =	vmovc v14;
	v14 =	vadd.s32 $0x3330, v0;
	v12 =	vadd.s32 $0x3720, v0;
	v11 =	vadd.s32 $0x3B10, v0;
	s3 =	sadd.s32 $0x7F00, s14;
	s0 =	sor.u32 s18, s1;
	s25 =	sor.u32 s16, s9;
	v10 =	vld.idx.msk [tilespmem:v42+s4+$0x0], $0xffff;
	[tilespmem:s31+$0x0] =	vst v47  }
0xd2: {  	_ =	sdelay $0x2  }
0xd3: {  	[tilespmem:s0+$0x0] =	vst v30  }
0xd4: {  	s7 =	sor.u32 s18, s3;
	v57 =	vld.idx.msk [tilespmem:v28+s4+$0x0], $0xffff;
	[tilespmem:s19+$0x0] =	vst v1  }
0xd5: {  	s5 =	sadd.s32 $0x8700, s14;
	v19 =	vld.idx.msk [tilespmem:v19+s4+$0x0], $0xffff;
	[tilespmem:s7+$0x0] =	vst v29  }
0xd6: {  	v58 =	vld.idx.msk [tilespmem:v25+s4+$0x0], $0xffff;
	s8 =	sor.u32 s18, s5;
	[tilespmem:s13+$0x0] =	vst v2  }
0xd7: {  	s6 =	sadd.s32 $0x8F00, s14;
	v18 =	vld.idx.msk [tilespmem:v18+s4+$0x0], $0xffff;
	[tilespmem:s8+$0x0] =	vst v26  }
0xd8: {  	v17 =	vld.idx.msk [tilespmem:v17+s4+$0x0], $0xffff;
	s9 =	sor.u32 s18, s6;
	[tilespmem:s21+$0x0] =	vst v3  }
0xd9: {  	v15 =	vld.idx.msk [tilespmem:v15+s4+$0x0], $0xffff;
	s7 =	sadd.s32 $0x9700, s14;
	[tilespmem:s9+$0x0] =	vst v23  }
0xda: {  	v0 =	vld.idx.msk [tilespmem:v0+s4+$0x0], $0xffff;
	s10 =	sor.u32 s18, s7;
	[tilespmem:s30+$0x0] =	vst v4  }
0xdb: {  	v59 =	vld.idx.msk [tilespmem:v16+s4+$0x0], $0xffff;
	s8 =	sadd.s32 $0x9F00, s14;
	[tilespmem:s10+$0x0] =	vst v20  }
0xdc: {  	v60 =	vld.idx.msk [tilespmem:v13+s4+$0x0], $0xffff;
	s11 =	sor.u32 s18, s8;
	[tilespmem:s24+$0x0] =	vst v5  }
0xdd: {  	v61 =	vld.idx.msk [tilespmem:v14+s4+$0x0], $0xffff;
	[tilespmem:s11+$0x0] =	vst v21  }
0xde: {  	v62 =	vld.idx.msk [tilespmem:v12+s4+$0x0], $0xffff;
	s9 =	sadd.s32 $0xA700, s14;
	[tilespmem:s12+$0x0] =	vst v6  }
0xdf: {  	v63 =	vld.idx.msk [tilespmem:v11+s4+$0x0], $0xffff;
	s15 =	sor.u32 s18, s9;
	[tilespmem:s17+$0x0] =	vst v0  }
0xe0: {  	s10 =	sadd.s32 $0xAF00, s14;
	[tilespmem:s15+$0x0] =	vst v22  }
0xe1: {  	s22 =	sor.u32 s18, s10;
	[tilespmem:s20+$0x0] =	vst v7  }
0xe2: {  	s11 =	sadd.s32 $0xB700, s14;
	[tilespmem:s22+$0x0] =	vst v24  }
0xe3: {  	s23 =	sor.u32 s18, s11;
	[tilespmem:s25+$0x0] =	vst v8  }
0xe4: {  	s15 =	sadd.s32 $0xBF00, s14;
	[tilespmem:s23+$0x0] =	vst v27  }
0xe5: {  	s28 =	sor.u32 s18, s15;
	[tilespmem:s26+$0x0] =	vst v9  }
0xe6: {  	s31 =	sor.u32 s16, s2;
	s14 =	sadd.s32 $0xC700, s14;
	[tilespmem:s28+$0x0] =	vst v31  }
0xe7: {  	s29 =	sor.u32 s18, s14;
	[tilespmem:s31+$0x0] =	vst v10  }
0xe8: {  	s2 =	sor.u32 s16, s1;
	[tilespmem:s29+$0x0] =	vst v32  }
0xe9: {  	s3 =	sor.u32 s16, s3;
	[tilespmem:s2+$0x0] =	vst v57  }
0xea: {  	s12 =	sor.u32 s16, s5;
	[tilespmem:s3+$0x0] =	vst v19  }
0xeb: {  	s13 =	sor.u32 s16, s6;
	[tilespmem:s12+$0x0] =	vst v58  }
0xec: {  	s17 =	sor.u32 s16, s7;
	[tilespmem:s13+$0x0] =	vst v18  }
0xed: {  	s18 =	sor.u32 s16, s8;
	[tilespmem:s17+$0x0] =	vst v17  }
0xee: {  	s19 =	sor.u32 s16, s9;
	[tilespmem:s18+$0x0] =	vst v15  }
0xef: {  	s20 =	sor.u32 s16, s10;
	s29 =	rddreg [dreg:$0x2];
	[tilespmem:s19+$0x0] =	vst v59  }
0xf0: {  	s30 =	simm.s32 $0x800;
	s23 =	sor.u32 s16, s11;
	s21 =	rddreg [dreg:$0x17];
	[tilespmem:s20+$0x0] =	vst v60  }
0xf1: {  	s25 =	sor.u32 s16, s15;
	s22 =	sshrl.u32 s21, $0x2;
	s1 =	rddreg [dreg:$0xd];
	[tilespmem:s23+$0x0] =	vst v61  }
0xf2: {  	s24 =	sshll.u32 s21, $0x9;
	p1 =	sne.s32 s21, $0xF;
	s0 =	sadd.s32 s1, s22;
	[tilespmem:s25+$0x0] =	vst v62  }
.Ltmp3:
0xf3: {  	s26 =	sand.u32 $0x600, s24;
	s2 =	rddreg [dreg:$0xc];
	(pc) =	sbr.rel @p1 .LBB2_6-.Ltmp3, $4  }
0xf4: {  	s28 =	sor.u32 s16, s14;
	s0 =	sshll.u32 s0, $0xF;
	[dreg:$0x1a] =	wrdreg s26  }
0xf5: {  	s31 =	simm.s32 $0x4F00;
	s2 =	sadd.s32 s2, s0;
	s0 =	sadd.s32 s29, s26;
	[tilespmem:s28+$0x0] =	vst v63  }
0xf6: {  	s3 =	simm.s32 $0x4000;
	[dreg:$0x19] =	wrdreg s2;
	s0 =	sadd.s32 s2, s0  }
0xf7: {  	[hbm4b:s0+s30] =	stream.strided.scatter [tilespmem:s31], [sflag:$0x3], $0x8000, s3, s30, $0x38;
	[tilespmem:$0x14F00] =	vst v63  }
.Ltmp4:
0xf8: {  	(pc) =	sbr.rel .LBB2_7-.Ltmp4, $4  }
0xf9: {  	s0 =	simm.s32 $0x2  }
0xfa: {  	_ =	swait.ge [sflag:s0], $0x800  }
0xfb: {  	[sflag:s0] =	ssyncset.done $0x0  }
0xfc: {  	[sflag:s0] =	ssyncadd.s32 $0xFFFFF800  }
.LBB2_6:
0xfd: {  	s0 =	rddreg [dreg:$0x18]  }
0xfe: {  	s0 =	sadd.s32 $0x2, s0  }
0xff: {  	s2 =	rddreg [dreg:$0xb];
	s1 =	sshrl.u32 s0, $0x3;
	s0 =	sshll.u32 s0, $0x8  }
0x100: {  	s29 =	rddreg [dreg:$0x0];
	s1 =	sadd.s32 s2, s1;
	s0 =	sand.u32 $0x600, s0  }
0x101: {  	s1 =	sshll.u32 s1, $0xB;
	s0 =	sadd.s32 s29, s0  }
0x102: {  	s30 =	simm.s32 $0x3F00;
	s0 =	sadd.s32 s1, s0  }
0x103: {  	[tilespmem:s30], [sflag:$0x1] =	stream.linear.gather [hbm4b:s0+s4], $0x80, $0x38;
	[tilespmem:$0x14F00] =	vst v63  }
0x104: {  	s31 =	sadd.s32 $0x10, s0  }
0x105: {  	[tilespmem:s3], [sflag:$0x1] =	stream.linear.gather [hbm4b:s31+s4], $0x80, $0x38;
	[tilespmem:$0x14F00] =	vst v63  }
0x106: {  	s2 =	sadd.s32 $0x20, s0;
	s3 =	simm.s32 $0x4100  }
0x107: {  	[tilespmem:s3], [sflag:$0x1] =	stream.linear.gather [hbm4b:s2+s4], $0x80, $0x38;
	[tilespmem:$0x14F00] =	vst v63  }
0x108: {  	s6 =	simm.s32 $0x4200;
	s5 =	sadd.s32 $0x30, s0  }
0x109: {  	[tilespmem:s6], [sflag:$0x1] =	stream.linear.gather [hbm4b:s5+s4], $0x80, $0x38;
	[tilespmem:$0x14F00] =	vst v63  }
0x10a: {  	s8 =	simm.s32 $0x4300;
	s7 =	sadd.s32 $0x40, s0  }
0x10b: {  	[tilespmem:s8], [sflag:$0x1] =	stream.linear.gather [hbm4b:s7+s4], $0x80, $0x38;
	[tilespmem:$0x14F00] =	vst v63  }
0x10c: {  	s10 =	simm.s32 $0x4400;
	s9 =	sadd.s32 $0x50, s0  }
0x10d: {  	[tilespmem:s10], [sflag:$0x1] =	stream.linear.gather [hbm4b:s9+s4], $0x80, $0x38;
	[tilespmem:$0x14F00] =	vst v63  }
0x10e: {  	s12 =	simm.s32 $0x4500;
	s11 =	sadd.s32 $0x60, s0  }
0x10f: {  	[tilespmem:s12], [sflag:$0x1] =	stream.linear.gather [hbm4b:s11+s4], $0x80, $0x38;
	[tilespmem:$0x14F00] =	vst v63  }
0x110: {  	s14 =	simm.s32 $0x4600;
	s13 =	sadd.s32 $0x70, s0  }
0x111: {  	[tilespmem:s14], [sflag:$0x1] =	stream.linear.gather [hbm4b:s13+s4], $0x80, $0x38;
	[tilespmem:$0x14F00] =	vst v63  }
0x112: {  	s16 =	simm.s32 $0x4700;
	s15 =	sadd.s32 $0x80, s0  }
0x113: {  	[tilespmem:s16], [sflag:$0x1] =	stream.linear.gather [hbm4b:s15+s4], $0x80, $0x38;
	[tilespmem:$0x14F00] =	vst v63  }
0x114: {  	s18 =	simm.s32 $0x4800;
	s17 =	sadd.s32 $0x90, s0  }
0x115: {  	[tilespmem:s18], [sflag:$0x1] =	stream.linear.gather [hbm4b:s17+s4], $0x80, $0x38;
	[tilespmem:$0x14F00] =	vst v63  }
0x116: {  	s20 =	simm.s32 $0x4900;
	s19 =	sadd.s32 $0xA0, s0  }
0x117: {  	[tilespmem:s20], [sflag:$0x1] =	stream.linear.gather [hbm4b:s19+s4], $0x80, $0x38;
	[tilespmem:$0x14F00] =	vst v63  }
0x118: {  	s22 =	simm.s32 $0x4A00;
	s21 =	sadd.s32 $0xB0, s0  }
0x119: {  	[tilespmem:s22], [sflag:$0x1] =	stream.linear.gather [hbm4b:s21+s4], $0x80, $0x38;
	[tilespmem:$0x14F00] =	vst v63  }
0x11a: {  	s24 =	simm.s32 $0x4B00;
	s23 =	sadd.s32 $0xC0, s0  }
0x11b: {  	[tilespmem:s24], [sflag:$0x1] =	stream.linear.gather [hbm4b:s23+s4], $0x80, $0x38;
	[tilespmem:$0x14F00] =	vst v63  }
0x11c: {  	s26 =	simm.s32 $0x4C00;
	s25 =	sadd.s32 $0xD0, s0  }
0x11d: {  	[tilespmem:s26], [sflag:$0x1] =	stream.linear.gather [hbm4b:s25+s4], $0x80, $0x38;
	[tilespmem:$0x14F00] =	vst v63  }
0x11e: {  	s29 =	simm.s32 $0x4D00;
	s28 =	sadd.s32 $0xE0, s0;
	s0 =	sadd.s32 $0xF0, s0  }
0x11f: {  	[tilespmem:s29], [sflag:$0x1] =	stream.linear.gather [hbm4b:s28+s4], $0x80, $0x38;
	[tilespmem:$0x14F00] =	vst v63  }
.Ltmp5:
0x120: {  	s30 =	simm.s32 $0x4E00;
	s31 =	simm.s32 $0x2;
	(pc) =	sbr.rel @p0 .LBB2_8-.Ltmp5, $4  }
0x121: {  	[tilespmem:s30], [sflag:$0x1] =	stream.linear.gather [hbm4b:s0+s4], $0x80, $0x38;
	[tilespmem:$0x14F00] =	vst v63  }
0x122: {  	_ =	swait.ge [sflag:s31], $0x800  }
0x123: {  	[sflag:s31] =	ssyncset.done $0x0  }
0x124: {  	[sflag:s31] =	ssyncadd.s32 $0xFFFFF800  }
.LBB2_7:
0x125: {  	s0 =	simm.s32 $0x4  }
0x126: {  	_ =	swait.ge [sflag:s0], $0x8000  }
0x127: {  	[sflag:s0] =	ssyncset.done $0x0  }
0x128: {  	[sflag:s0] =	ssyncadd.s32 $0xFFFF8000  }
.LBB2_8:
0x129: {  	s0 =	simm.s32 $0x0  }
0x12a: {  	s2 =	sand.u32 $0x60, s0;
	s1 =	sand.u32 $0xF00, s0  }
0x12b: {  	s1 =	sadd.s32 $0x3F00, s1;
	s12 =	sor.u32 $0x10, s2  }
0x12c: {  	s3 =	sor.u32 s12, s1  }
0x12d: {  	v0 =	vld [tilespmem:s3+$0x80];
	_ =	sdelay $0x4  }
0x12e: {  	v1 =	vadd.s32 $0x3F0, v0  }
0x12f: {  	v2 =	vadd.s32 $0x7E0, v0  }
0x130: {  	s1 =	sor.u32 s2, s1;
	v3 =	vadd.s32 $0xBD0, v0  }
0x131: {  	v7 =	vld [tilespmem:s1+$0x80];
	v4 =	vadd.s32 $0xFC0, v0  }
0x132: {  	v6 =	vadd.s32 $0x13B0, v0;
	v5 =	vld.idx.msk [tilespmem:v0+s4+$0x0], $0xffff  }
0x133: {  	v8 =	vadd.s32 $0x17A0, v0;
	v1 =	vld.idx.msk [tilespmem:v1+s4+$0x0], $0xffff  }
0x134: {  	v9 =	vadd.s32 $0x1B90, v0;
	v2 =	vld.idx.msk [tilespmem:v2+s4+$0x0], $0xffff  }
0x135: {  	v10 =	vadd.s32 $0x1F80, v0;
	v3 =	vld.idx.msk [tilespmem:v3+s4+$0x0], $0xffff  }
0x136: {  	v11 =	vadd.s32 $0x2370, v0;
	v4 =	vld.idx.msk [tilespmem:v4+s4+$0x0], $0xffff  }
0x137: {  	v12 =	vadd.s32 $0x2760, v0;
	v6 =	vld.idx.msk [tilespmem:v6+s4+$0x0], $0xffff  }
0x138: {  	v13 =	vadd.s32 $0x2B50, v0;
	v8 =	vld.idx.msk [tilespmem:v8+s4+$0x0], $0xffff  }
0x139: {  	v14 =	vadd.s32 $0x2F40, v0;
	v9 =	vld.idx.msk [tilespmem:v9+s4+$0x0], $0xffff  }
0x13a: {  	v15 =	vadd.s32 $0x3330, v0;
	v10 =	vld.idx.msk [tilespmem:v10+s4+$0x0], $0xffff  }
0x13b: {  	v16 =	vadd.s32 $0x3720, v0;
	v11 =	vld.idx.msk [tilespmem:v11+s4+$0x0], $0xffff  }
0x13c: {  	v17 =	vadd.s32 $0x3F0, v7;
	v12 =	vld.idx.msk [tilespmem:v12+s4+$0x0], $0xffff  }
0x13d: {  	v18 =	vadd.s32 $0x7E0, v7;
	v13 =	vld.idx.msk [tilespmem:v13+s4+$0x0], $0xffff  }
0x13e: {  	v19 =	vadd.s32 $0xBD0, v7;
	v14 =	vld.idx.msk [tilespmem:v14+s4+$0x0], $0xffff  }
0x13f: {  	v20 =	vadd.s32 $0xFC0, v7;
	v15 =	vld.idx.msk [tilespmem:v15+s4+$0x0], $0xffff  }
0x140: {  	v21 =	vadd.s32 $0x13B0, v7;
	v16 =	vld.idx.msk [tilespmem:v16+s4+$0x0], $0xffff  }
0x141: {  	v23 =	vadd.s32 $0x1B90, v7;
	v17 =	vld.idx.msk [tilespmem:v17+s4+$0x0], $0xffff  }
0x142: {  	v24 =	vadd.s32 $0x1F80, v7;
	v18 =	vld.idx.msk [tilespmem:v18+s4+$0x0], $0xffff  }
0x143: {  	v25 =	vadd.s32 $0x2370, v7;
	v19 =	vld.idx.msk [tilespmem:v19+s4+$0x0], $0xffff  }
0x144: {  	v20 =	vld.idx.msk [tilespmem:v20+s4+$0x0], $0xffff  }
0x145: {  	s5 =	simm.s32 $0x40;
	s1 =	simm.s32 $0x20;
	v0 =	vadd.s32 $0x3B10, v0;
	v21 =	vld.idx.msk [tilespmem:v21+s4+$0x0], $0xffff  }
0x146: {  	s5 =	sand.u32 $0xF00, s5;
	s20 =	sand.u32 $0x60, s1;
	v23 =	vld.idx.msk [tilespmem:v23+s4+$0x0], $0xffff  }
0x147: {  	s5 =	sadd.s32 $0x3F00, s5;
	s22 =	sor.u32 $0x10, s20;
	v27 =	vadd.s32 $0x2760, v7;
	v31 =	vld.idx.msk [tilespmem:v24+s4+$0x0], $0xffff  }
0x148: {  	s9 =	sand.u32 $0x780, s0;
	s7 =	sor.u32 s22, s5;
	v28 =	vadd.s32 $0x2B50, v7;
	v32 =	vld.idx.msk [tilespmem:v25+s4+$0x0], $0xffff  }
0x149: {  	s0 =	sadd.s32 $0xCF00, s9;
	v24 =	vadd.s32 $0x2F40, v7;
	v25 =	vld [tilespmem:s7+$0x80]  }
0x14a: {  	s6 =	sor.u32 s12, s0;
	s3 =	sadd.s32 $0xD700, s9;
	v22 =	vld.idx.msk [tilespmem:v0+s4+$0x0], $0xffff;
	v0 =	vadd.s32 $0x17A0, v7  }
0x14b: {  	s10 =	sadd.s32 $0xDF00, s9;
	s24 =	sor.u32 s12, s3;
	v29 =	vadd.s32 $0x3720, v7;
	v30 =	vadd.s32 $0x3B10, v7;
	[tilespmem:s6+$0x0] =	vst v5;
	v5 =	vadd.s32 $0x3330, v7;
	v7 =	vld.idx.msk [tilespmem:v7+s4+$0x0], $0xffff  }
0x14c: {  	s11 =	sadd.s32 $0xE700, s9;
	s25 =	sor.u32 s12, s10;
	[tilespmem:s24+$0x0] =	vst v1;
	v1 =	vld.idx.msk [tilespmem:v27+s4+$0x0], $0xffff  }
0x14d: {  	s26 =	sor.u32 s12, s11;
	[tilespmem:s25+$0x0] =	vst v2;
	v2 =	vld.idx.msk [tilespmem:v28+s4+$0x0], $0xffff  }
0x14e: {  	s13 =	sadd.s32 $0xEF00, s9;
	[tilespmem:s26+$0x0] =	vst v3;
	v3 =	vld.idx.msk [tilespmem:v24+s4+$0x0], $0xffff  }
0x14f: {  	s14 =	sadd.s32 $0xF700, s9;
	s7 =	sor.u32 s12, s13;
	v26 =	vld.idx.msk [tilespmem:v0+s4+$0x0], $0xffff  }
0x150: {  	s8 =	sor.u32 s12, s14;
	[tilespmem:s7+$0x0] =	vst v4;
	v4 =	vld.idx.msk [tilespmem:v5+s4+$0x0], $0xffff  }
0x151: {  	s15 =	sadd.s32 $0xFF00, s9;
	s0 =	sor.u32 s2, s0;
	v5 =	vld.idx.msk [tilespmem:v29+s4+$0x0], $0xffff;
	[tilespmem:s8+$0x0] =	vst v6  }
0x152: {  	s16 =	sor.u32 s12, s15;
	v6 =	vld.idx.msk [tilespmem:v30+s4+$0x0], $0xffff;
	[tilespmem:s0+$0x0] =	vst v7  }
0x153: {  	s17 =	sadd.s32 $0x10700, s9;
	s3 =	sor.u32 s2, s3;
	[tilespmem:s16+$0x0] =	vst v8  }
0x154: {  	s18 =	sor.u32 s12, s17;
	[tilespmem:s3+$0x0] =	vst v17  }
0x155: {  	s19 =	sadd.s32 $0x10F00, s9;
	s10 =	sor.u32 s2, s10;
	v24 =	vadd.s32 $0x13B0, v25;
	[tilespmem:s18+$0x0] =	vst v9  }
0x156: {  	s23 =	sor.u32 s12, s19;
	[tilespmem:s10+$0x0] =	vst v18  }
0x157: {  	s21 =	sadd.s32 $0x11700, s9;
	s11 =	sor.u32 s2, s11;
	v8 =	vadd.s32 $0x3F0, v25;
	[tilespmem:s23+$0x0] =	vst v10  }
0x158: {  	s5 =	sor.u32 s20, s5;
	s24 =	sor.u32 s12, s21;
	s8 =	sadd.s32 $0x11F00, s9;
	v9 =	vadd.s32 $0x7E0, v25;
	[tilespmem:s11+$0x0] =	vst v19  }
0x159: {  	s6 =	sadd.s32 $0x12700, s9;
	v0 =	vld [tilespmem:s5+$0x80];
	s7 =	sadd.s32 $0x12F00, s9;
	s25 =	sor.u32 s12, s8;
	v10 =	vadd.s32 $0xBD0, v25;
	[tilespmem:s24+$0x0] =	vst v11  }
0x15a: {  	s26 =	sor.u32 s12, s6;
	s16 =	sor.u32 s12, s7;
	s23 =	sadd.s32 $0x13700, s9;
	v30 =	vld.idx.msk [tilespmem:v24+s4+$0x0], $0xffff;
	v11 =	vadd.s32 $0xFC0, v25;
	[tilespmem:s25+$0x0] =	vst v12  }
0x15b: {  	v7 =	vadd.s32 $0x2B50, v25;
	s24 =	sadd.s32 $0x13F00, s9;
	s18 =	sor.u32 s12, s23;
	s9 =	sadd.s32 $0x14700, s9;
	v12 =	vld.idx.msk [tilespmem:v25+s4+$0x0], $0xffff;
	[tilespmem:s26+$0x0] =	vst v13  }
0x15c: {  	s25 =	sor.u32 s12, s24;
	v8 =	vld.idx.msk [tilespmem:v8+s4+$0x0], $0xffff;
	v13 =	vadd.s32 $0x17A0, v25;
	s26 =	sor.u32 s12, s9;
	s12 =	sor.u32 s2, s13;
	[tilespmem:s16+$0x0] =	vst v14  }
0x15d: {  	v9 =	vld.idx.msk [tilespmem:v9+s4+$0x0], $0xffff;
	v14 =	vadd.s32 $0x1B90, v25;
	[tilespmem:s12+$0x0] =	vst v20  }
0x15e: {  	s13 =	sor.u32 s2, s14;
	[tilespmem:s18+$0x0] =	vst v15;
	v10 =	vld.idx.msk [tilespmem:v10+s4+$0x0], $0xffff;
	v15 =	vadd.s32 $0x1F80, v25  }
0x15f: {  	[tilespmem:s13+$0x0] =	vst v21;
	v33 =	vld.idx.msk [tilespmem:v11+s4+$0x0], $0xffff;
	v11 =	vadd.s32 $0x2370, v25  }
0x160: {  	v21 =	vld.idx.msk [tilespmem:v7+s4+$0x0], $0xffff;
	[tilespmem:s25+$0x0] =	vst v16;
	v16 =	vadd.s32 $0x2760, v25  }
0x161: {  	v28 =	vld.idx.msk [tilespmem:v13+s4+$0x0], $0xffff;
	v13 =	vadd.s32 $0x2F40, v25  }
0x162: {  	v27 =	vld.idx.msk [tilespmem:v14+s4+$0x0], $0xffff;
	v14 =	vadd.s32 $0x3330, v25  }
0x163: {  	s30 =	simm.s32 $0x80;
	v24 =	vld.idx.msk [tilespmem:v15+s4+$0x0], $0xffff;
	v15 =	vadd.s32 $0x3B10, v25  }
0x164: {  	s31 =	sor.u32 s2, s7;
	s14 =	sor.u32 s2, s15;
	s15 =	sor.u32 s2, s17;
	[tilespmem:s26+$0x0] =	vst v22;
	v22 =	vld.idx.msk [tilespmem:v11+s4+$0x0], $0xffff;
	v11 =	vadd.s32 $0x3720, v25  }
0x165: {  	s17 =	sor.u32 s2, s6;
	s16 =	sor.u32 s2, s24;
	s12 =	sor.u32 s2, s9;
	v7 =	vadd.s32 $0x3F0, v0;
	[tilespmem:s14+$0x0] =	vst v26;
	v20 =	vld.idx.msk [tilespmem:v16+s4+$0x0], $0xffff  }
0x166: {  	s18 =	sor.u32 s2, s19;
	s19 =	sor.u32 s2, s21;
	s14 =	sand.u32 $0x780, s1;
	[tilespmem:s15+$0x0] =	vst v23;
	v25 =	vld.idx.msk [tilespmem:v13+s4+$0x0], $0xffff;
	v13 =	vadd.s32 $0x7E0, v0  }
0x167: {  	s21 =	sor.u32 s2, s8;
	s25 =	simm.s32 $0x2;
	s9 =	sadd.s32 $0xCF00, s14;
	[tilespmem:s18+$0x0] =	vst v31;
	v29 =	vld.idx.msk [tilespmem:v14+s4+$0x0], $0xffff;
	v14 =	vadd.s32 $0xBD0, v0  }
0x168: {  	v34 =	vadd.s32 $0xFC0, v0;
	s26 =	sor.u32 s2, s23;
	s1 =	sadd.s32 $0xD700, s14;
	s0 =	sor.u32 s22, s9;
	[tilespmem:s19+$0x0] =	vst v32;
	v32 =	vld.idx.msk [tilespmem:v15+s4+$0x0], $0xffff  }
0x169: {  	s10 =	sadd.s32 $0xDF00, s14;
	s13 =	sadd.s32 $0xE700, s14;
	s11 =	sor.u32 s22, s1;
	v31 =	vld.idx.msk [tilespmem:v11+s4+$0x0], $0xffff;
	[tilespmem:s0+$0x0] =	vst v12  }
0x16a: {  	v19 =	vadd.s32 $0x17A0, v0;
	v26 =	vadd.s32 $0x13B0, v0;
	s3 =	sadd.s32 $0xF700, s14;
	s2 =	simm.s32 $0x40;
	s15 =	sor.u32 s22, s10;
	v7 =	vld.idx.msk [tilespmem:v7+s4+$0x0], $0xffff;
	[tilespmem:s11+$0x0] =	vst v8  }
0x16b: {  	v18 =	vadd.s32 $0x1F80, v0;
	v17 =	vadd.s32 $0x2370, v0;
	v23 =	vadd.s32 $0x1B90, v0;
	s29 =	sor.u32 s20, s1;
	s1 =	sadd.s32 $0xEF00, s14;
	s18 =	sor.u32 s22, s13;
	v8 =	vld.idx.msk [tilespmem:v13+s4+$0x0], $0xffff;
	[tilespmem:s15+$0x0] =	vst v9  }
0x16c: {  	s28 =	sor.u32 s20, s9;
	s23 =	sor.u32 s20, s13;
	s24 =	sor.u32 s22, s1;
	v16 =	vadd.s32 $0x2B50, v0;
	v15 =	vadd.s32 $0x2760, v0;
	v12 =	vadd.s32 $0x3720, v0;
	v9 =	vld.idx.msk [tilespmem:v14+s4+$0x0], $0xffff;
	[tilespmem:s18+$0x0] =	vst v10  }
0x16d: {  	s9 =	sadd.s32 $0xFF00, s14;
	s19 =	sor.u32 s20, s10;
	v11 =	vadd.s32 $0x3B10, v0;
	s0 =	sor.u32 s22, s3;
	v13 =	vadd.s32 $0x2F40, v0;
	v14 =	vadd.s32 $0x3330, v0;
	v10 =	vld.idx.msk [tilespmem:v34+s4+$0x0], $0xffff;
	[tilespmem:s24+$0x0] =	vst v33  }
.LBB2_9:
0x16e: {  	_ = 	snop  }
0x16f: {  	v33 =	vld.idx.msk [tilespmem:v26+s4+$0x0], $0xffff  }
0x170: {  	v34 =	vld.idx.msk [tilespmem:v19+s4+$0x0], $0xffff  }
0x171: {  	v35 =	vld.idx.msk [tilespmem:v23+s4+$0x0], $0xffff  }
0x172: {  	v37 =	vld.idx.msk [tilespmem:v18+s4+$0x0], $0xffff  }
0x173: {  	[dreg:$0x6] =	wrdreg s19;
	v36 =	vld.idx.msk [tilespmem:v17+s4+$0x0], $0xffff  }
0x174: {  	s11 =	sand.u32 $0x60, s2;
	s5 =	sadd.s32 $0x10700, s14;
	[tilespmem:s0+$0x0] =	vst v30;
	s10 =	sor.u32 s22, s9;
	v15 =	vld.idx.msk [tilespmem:v15+s4+$0x0], $0xffff  }
0x175: {  	s6 =	sand.u32 $0xF00, s30;
	s7 =	sadd.s32 $0x10F00, s14;
	v16 =	vld.idx.msk [tilespmem:v16+s4+$0x0], $0xffff;
	[tilespmem:s10+$0x0] =	vst v28;
	s13 =	sor.u32 s22, s5  }
0x176: {  	v13 =	vld.idx.msk [tilespmem:v13+s4+$0x0], $0xffff;
	s15 =	sor.u32 s22, s7;
	s6 =	sadd.s32 $0x3F00, s6;
	s8 =	sor.u32 $0x10, s11;
	[tilespmem:s13+$0x0] =	vst v27  }
0x177: {  	v14 =	vld.idx.msk [tilespmem:v14+s4+$0x0], $0xffff;
	s10 =	sadd.s32 $0x11700, s14;
	[tilespmem:s15+$0x0] =	vst v24;
	s15 =	sor.u32 s8, s6;
	s6 =	sor.u32 s11, s6  }
0x178: {  	[dreg:$0x4] =	wrdreg s23;
	s18 =	sor.u32 s22, s10;
	v17 =	vld [tilespmem:s6+$0x80]  }
0x179: {  	s23 =	smov.u32 s31;
	s31 =	sadd.s32 $0x11F00, s14;
	s19 =	smov.u32 s12;
	[tilespmem:s18+$0x0] =	vst v22;
	v22 =	vld.idx.msk [tilespmem:v12+s4+$0x0], $0xffff  }
0x17a: {  	s12 =	smov.u32 s16;
	s16 =	sadd.s32 $0x12700, s14;
	s24 =	sor.u32 s22, s31;
	[tilespmem:s21+$0x0] =	vst v1;
	v38 =	vld [tilespmem:s15+$0x80]  }
0x17b: {  	s13 =	sor.u32 s22, s16;
	s18 =	sadd.s32 $0x12F00, s14;
	[tilespmem:s24+$0x0] =	vst v20  }
0x17c: {  	s15 =	sor.u32 s22, s18;
	[tilespmem:s13+$0x0] =	vst v21  }
0x17d: {  	s6 =	sadd.s32 $0x13700, s14;
	[tilespmem:s15+$0x0] =	vst v25  }
0x17e: {  	s13 =	sor.u32 s22, s6;
	v25 =	vld.idx.msk [tilespmem:v11+s4+$0x0], $0xffff;
	[tilespmem:s17+$0x0] =	vst v2  }
0x17f: {  	s24 =	sadd.s32 $0x13F00, s14;
	[tilespmem:s13+$0x0] =	vst v29;
	v20 =	vadd.s32 $0x3F0, v38  }
0x180: {  	s14 =	sadd.s32 $0x14700, s14;
	s13 =	smov.u32 s26;
	s26 =	sor.u32 s22, s24;
	v28 =	vld.idx.msk [tilespmem:v0+s4+$0x0], $0xffff;
	[tilespmem:s23+$0x0] =	vst v3;
	v21 =	vadd.s32 $0x7E0, v38  }
0x181: {  	s22 =	sor.u32 s22, s14;
	[tilespmem:s26+$0x0] =	vst v31;
	v24 =	vadd.s32 $0xBD0, v38  }
0x182: {  	[tilespmem:s22+$0x0] =	vst v32;
	v27 =	vadd.s32 $0xFC0, v38  }
0x183: {  	[tilespmem:s13+$0x0] =	vst v4;
	v29 =	vadd.s32 $0x13B0, v38;
	v43 =	vld.idx.msk [tilespmem:v38+s4+$0x0], $0xffff  }
0x184: {  	[tilespmem:s12+$0x0] =	vst v5;
	v5 =	vmov v22;
	v22 =	vadd.s32 $0x2370, v38;
	v44 =	vld.idx.msk [tilespmem:v20+s4+$0x0], $0xffff  }
0x185: {  	v20 =	vadd.s32 $0x17A0, v38;
	v45 =	vld.idx.msk [tilespmem:v21+s4+$0x0], $0xffff  }
0x186: {  	v21 =	vadd.s32 $0x1B90, v38;
	v46 =	vld.idx.msk [tilespmem:v24+s4+$0x0], $0xffff  }
0x187: {  	[tilespmem:s19+$0x0] =	vst v6;
	v24 =	vadd.s32 $0x1F80, v38;
	v47 =	vld.idx.msk [tilespmem:v27+s4+$0x0], $0xffff  }
0x188: {  	s1 =	sor.u32 s20, s1;
	s6 =	sor.u32 s20, s6;
	s26 =	sor.u32 s20, s31;
	v6 =	vmov v25;
	v25 =	vadd.s32 $0x2760, v38;
	[tilespmem:s28+$0x0] =	vst v28;
	v30 =	vld.idx.msk [tilespmem:v29+s4+$0x0], $0xffff  }
0x189: {  	s21 =	smov.u32 s26;
	s26 =	smov.u32 s6;
	s6 =	rddreg [dreg:$0x6];
	[tilespmem:s29+$0x0] =	vst v7;
	v29 =	vadd.s32 $0x2B50, v38;
	v22 =	vld.idx.msk [tilespmem:v22+s4+$0x0], $0xffff  }
0x18a: {  	s0 =	sor.u32 s20, s9;
	s9 =	sor.u32 s20, s7;
	s7 =	rddreg [dreg:$0x4];
	v7 =	vadd.s32 $0x2F40, v38;
	[tilespmem:s6+$0x0] =	vst v8;
	v28 =	vld.idx.msk [tilespmem:v20+s4+$0x0], $0xffff  }
0x18b: {  	s3 =	sor.u32 s20, s3;
	s25 =	sadd.s32 $0x2, s25;
	s30 =	sadd.s32 $0x40, s30;
	v8 =	vadd.s32 $0x3330, v38;
	[tilespmem:s7+$0x0] =	vst v9;
	v27 =	vld.idx.msk [tilespmem:v21+s4+$0x0], $0xffff  }
0x18c: {  	p0 =	slt.u32 s25, $0x7E;
	s10 =	sor.u32 s20, s10;
	s16 =	sor.u32 s20, s16;
	v9 =	vadd.s32 $0x3720, v38;
	[tilespmem:s1+$0x0] =	vst v10;
	v24 =	vld.idx.msk [tilespmem:v24+s4+$0x0], $0xffff  }
0x18d: {  	s18 =	sor.u32 s20, s18;
	s15 =	sor.u32 s20, s5;
	s17 =	smov.u32 s16;
	v10 =	vadd.s32 $0x3B10, v38;
	[tilespmem:s3+$0x0] =	vst v33;
	v20 =	vld.idx.msk [tilespmem:v25+s4+$0x0], $0xffff  }
0x18e: {  	s24 =	sor.u32 s20, s24;
	s14 =	sor.u32 s20, s14;
	v39 =	vadd.s32 $0x3F0, v17;
	s20 =	smov.u32 s11;
	[tilespmem:s0+$0x0] =	vst v34;
	v21 =	vld.idx.msk [tilespmem:v29+s4+$0x0], $0xffff  }
0x18f: {  	v40 =	vadd.s32 $0x7E0, v17;
	s31 =	smov.u32 s18;
	s12 =	smov.u32 s14;
	s14 =	sand.u32 $0x780, s2;
	v25 =	vld.idx.msk [tilespmem:v7+s4+$0x0], $0xffff;
	[tilespmem:s15+$0x0] =	vst v35  }
0x190: {  	v41 =	vadd.s32 $0xBD0, v17;
	s16 =	smov.u32 s24;
	s22 =	smov.u32 s8;
	s8 =	sadd.s32 $0xCF00, s14;
	v29 =	vld.idx.msk [tilespmem:v8+s4+$0x0], $0xffff;
	[tilespmem:s9+$0x0] =	vst v37  }
0x191: {  	v42 =	vadd.s32 $0xFC0, v17;
	s13 =	sadd.s32 $0xE700, s14;
	s0 =	sor.u32 s22, s8;
	s9 =	sadd.s32 $0xD700, s14;
	v31 =	vld.idx.msk [tilespmem:v9+s4+$0x0], $0xffff;
	[tilespmem:s10+$0x0] =	vst v36  }
.Ltmp6:
0x192: {  	s10 =	sadd.s32 $0xDF00, s14;
	v32 =	vld.idx.msk [tilespmem:v10+s4+$0x0], $0xffff;
	[tilespmem:s0+$0x0] =	vst v43;
	s11 =	sor.u32 s22, s9;
	(pc) =	sbr.rel @p0 .LBB2_9-.Ltmp6, $4  }
0x193: {  	v26 =	vadd.s32 $0x13B0, v17;
	v19 =	vadd.s32 $0x17A0, v17;
	v0 =	vmov v17;
	s2 =	sadd.s32 $0x20, s2;
	s23 =	sor.u32 s20, s13;
	v7 =	vld.idx.msk [tilespmem:v39+s4+$0x0], $0xffff;
	[tilespmem:s11+$0x0] =	vst v44;
	s15 =	sor.u32 s22, s10  }
0x194: {  	v1 =	vmovc v15;
	v23 =	vadd.s32 $0x1B90, v0;
	v18 =	vadd.s32 $0x1F80, v0;
	v17 =	vadd.s32 $0x2370, v0;
	s18 =	sor.u32 s22, s13;
	s28 =	sor.u32 s20, s8;
	s1 =	sadd.s32 $0xEF00, s14;
	v8 =	vld.idx.msk [tilespmem:v40+s4+$0x0], $0xffff;
	[tilespmem:s15+$0x0] =	vst v45  }
0x195: {  	v2 =	vmovc v16;
	v3 =	vmovc v13;
	v15 =	vadd.s32 $0x2760, v0;
	v16 =	vadd.s32 $0x2B50, v0;
	v13 =	vadd.s32 $0x2F40, v0;
	s3 =	sadd.s32 $0xF700, s14;
	s24 =	sor.u32 s22, s1;
	s29 =	sor.u32 s20, s9;
	v9 =	vld.idx.msk [tilespmem:v41+s4+$0x0], $0xffff;
	[tilespmem:s18+$0x0] =	vst v46  }
0x196: {  	v4 =	vmovc v14;
	v14 =	vadd.s32 $0x3330, v0;
	v12 =	vadd.s32 $0x3720, v0;
	v11 =	vadd.s32 $0x3B10, v0;
	s9 =	sadd.s32 $0xFF00, s14;
	s0 =	sor.u32 s22, s3;
	s19 =	sor.u32 s20, s10;
	v10 =	vld.idx.msk [tilespmem:v42+s4+$0x0], $0xffff;
	[tilespmem:s24+$0x0] =	vst v47  }
0x197: {  	_ =	sdelay $0x2  }
0x198: {  	[tilespmem:s0+$0x0] =	vst v30  }
0x199: {  	s10 =	sor.u32 s22, s9;
	v57 =	vld.idx.msk [tilespmem:v26+s4+$0x0], $0xffff;
	[tilespmem:s21+$0x0] =	vst v1  }
0x19a: {  	s2 =	sadd.s32 $0x10700, s14;
	v19 =	vld.idx.msk [tilespmem:v19+s4+$0x0], $0xffff;
	[tilespmem:s10+$0x0] =	vst v28  }
0x19b: {  	v58 =	vld.idx.msk [tilespmem:v23+s4+$0x0], $0xffff;
	s11 =	sor.u32 s22, s2;
	[tilespmem:s17+$0x0] =	vst v2  }
0x19c: {  	s5 =	sadd.s32 $0x10F00, s14;
	v18 =	vld.idx.msk [tilespmem:v18+s4+$0x0], $0xffff;
	[tilespmem:s11+$0x0] =	vst v27  }
0x19d: {  	v17 =	vld.idx.msk [tilespmem:v17+s4+$0x0], $0xffff;
	s13 =	sor.u32 s22, s5;
	[tilespmem:s31+$0x0] =	vst v3  }
0x19e: {  	s6 =	sadd.s32 $0x11700, s14;
	v15 =	vld.idx.msk [tilespmem:v15+s4+$0x0], $0xffff;
	[tilespmem:s13+$0x0] =	vst v24  }
0x19f: {  	v0 =	vld.idx.msk [tilespmem:v0+s4+$0x0], $0xffff;
	s15 =	sor.u32 s22, s6;
	[tilespmem:s26+$0x0] =	vst v4  }
0x1a0: {  	s7 =	sadd.s32 $0x11F00, s14;
	v59 =	vld.idx.msk [tilespmem:v16+s4+$0x0], $0xffff;
	[tilespmem:s15+$0x0] =	vst v22  }
0x1a1: {  	v60 =	vld.idx.msk [tilespmem:v13+s4+$0x0], $0xffff;
	s18 =	sor.u32 s22, s7;
	[tilespmem:s16+$0x0] =	vst v5  }
0x1a2: {  	v61 =	vld.idx.msk [tilespmem:v14+s4+$0x0], $0xffff;
	[tilespmem:s18+$0x0] =	vst v20  }
0x1a3: {  	s8 =	sadd.s32 $0x12700, s14;
	v62 =	vld.idx.msk [tilespmem:v12+s4+$0x0], $0xffff;
	[tilespmem:s12+$0x0] =	vst v6  }
0x1a4: {  	v63 =	vld.idx.msk [tilespmem:v11+s4+$0x0], $0xffff;
	s24 =	sor.u32 s22, s8;
	[tilespmem:s28+$0x0] =	vst v0  }
0x1a5: {  	s10 =	sadd.s32 $0x12F00, s14;
	[tilespmem:s24+$0x0] =	vst v21  }
0x1a6: {  	s25 =	sor.u32 s22, s10;
	[tilespmem:s29+$0x0] =	vst v7  }
0x1a7: {  	s11 =	sadd.s32 $0x13700, s14;
	[tilespmem:s25+$0x0] =	vst v25  }
0x1a8: {  	s15 =	sor.u32 s22, s11;
	[tilespmem:s19+$0x0] =	vst v8  }
0x1a9: {  	s0 =	sadd.s32 $0x13F00, s14;
	[tilespmem:s15+$0x0] =	vst v29  }
0x1aa: {  	s30 =	sor.u32 s22, s0;
	[tilespmem:s23+$0x0] =	vst v9  }
0x1ab: {  	s1 =	sor.u32 s20, s1;
	s14 =	sadd.s32 $0x14700, s14;
	[tilespmem:s30+$0x0] =	vst v31  }
0x1ac: {  	s13 =	sor.u32 s22, s14;
	[tilespmem:s1+$0x0] =	vst v10  }
0x1ad: {  	s16 =	sor.u32 s20, s3;
	[tilespmem:s13+$0x0] =	vst v32  }
0x1ae: {  	s17 =	sor.u32 s20, s9;
	[tilespmem:s16+$0x0] =	vst v57  }
0x1af: {  	s18 =	sor.u32 s20, s2;
	[tilespmem:s17+$0x0] =	vst v19  }
0x1b0: {  	s19 =	sor.u32 s20, s5;
	[tilespmem:s18+$0x0] =	vst v58  }
0x1b1: {  	s21 =	sor.u32 s20, s6;
	[tilespmem:s19+$0x0] =	vst v18  }
0x1b2: {  	s22 =	sor.u32 s20, s7;
	[tilespmem:s21+$0x0] =	vst v17  }
0x1b3: {  	s23 =	sor.u32 s20, s8;
	[tilespmem:s22+$0x0] =	vst v15  }
0x1b4: {  	s24 =	sor.u32 s20, s10;
	[tilespmem:s23+$0x0] =	vst v59  }
0x1b5: {  	s25 =	sor.u32 s20, s11;
	[tilespmem:s24+$0x0] =	vst v60  }
0x1b6: {  	s0 =	sor.u32 s20, s0;
	[tilespmem:s25+$0x0] =	vst v61  }
0x1b7: {  	s29 =	sor.u32 s20, s14;
	s28 =	rddreg [dreg:$0x1a];
	[tilespmem:s0+$0x0] =	vst v62  }
0x1b8: {  	s0 =	rddreg [dreg:$0x19];
	[tilespmem:s29+$0x0] =	vst v63  }
0x1b9: {  	s5 =	rddreg [dreg:$0x17]  }
0x1ba: {  	p0 =	seq.s32 s5, $0xF  }
.Ltmp7:
0x1bb: {  	s26 =	rddreg [dreg:$0x2];
	(pc) =	sbr.rel @p0 .LBB2_12-.Ltmp7, $4  }
0x1bc: {  	s1 =	sadd.s32 s28, s26  }
0x1bd: {  	s31 =	simm.s32 $0xCF00;
	s0 =	sadd.s32 s0, s1  }
0x1be: {  	s2 =	simm.s32 $0x4000;
	s30 =	simm.s32 $0x800;
	s0 =	sadd.s32 $0x100, s0  }
0x1bf: {  	[hbm4b:s0+s30] =	stream.strided.scatter [tilespmem:s31], [sflag:$0x4], $0x8000, s2, s30, $0x38;
	[tilespmem:$0x14F00] =	vst v63  }
0x1c0: {  	s0 =	rddreg [dreg:$0x18]  }
0x1c1: {  	s0 =	sadd.s32 $0x3, s0  }
0x1c2: {  	s2 =	rddreg [dreg:$0xb];
	s1 =	sshrl.u32 s0, $0x3;
	s0 =	sshll.u32 s0, $0x8  }
0x1c3: {  	s28 =	rddreg [dreg:$0x0];
	s1 =	sadd.s32 s2, s1;
	s0 =	sand.u32 $0x700, s0  }
0x1c4: {  	s1 =	sshll.u32 s1, $0xB;
	s0 =	sadd.s32 s28, s0  }
0x1c5: {  	s29 =	simm.s32 $0x3F80;
	s0 =	sadd.s32 s1, s0  }
0x1c6: {  	[tilespmem:s29], [sflag:$0x2] =	stream.linear.gather [hbm4b:s0+s4], $0x80, $0x38;
	[tilespmem:$0x14F00] =	vst v63  }
0x1c7: {  	s31 =	simm.s32 $0x4080;
	s30 =	sadd.s32 $0x10, s0  }
0x1c8: {  	[tilespmem:s31], [sflag:$0x2] =	stream.linear.gather [hbm4b:s30+s4], $0x80, $0x38;
	[tilespmem:$0x14F00] =	vst v63  }
0x1c9: {  	s3 =	simm.s32 $0x4180;
	s2 =	sadd.s32 $0x20, s0  }
0x1ca: {  	[tilespmem:s3], [sflag:$0x2] =	stream.linear.gather [hbm4b:s2+s4], $0x80, $0x38;
	[tilespmem:$0x14F00] =	vst v63  }
0x1cb: {  	s7 =	simm.s32 $0x4280;
	s6 =	sadd.s32 $0x30, s0  }
0x1cc: {  	[tilespmem:s7], [sflag:$0x2] =	stream.linear.gather [hbm4b:s6+s4], $0x80, $0x38;
	[tilespmem:$0x14F00] =	vst v63  }
0x1cd: {  	s9 =	simm.s32 $0x4380;
	s8 =	sadd.s32 $0x40, s0  }
0x1ce: {  	[tilespmem:s9], [sflag:$0x2] =	stream.linear.gather [hbm4b:s8+s4], $0x80, $0x38;
	[tilespmem:$0x14F00] =	vst v63  }
0x1cf: {  	s11 =	simm.s32 $0x4480;
	s10 =	sadd.s32 $0x50, s0  }
0x1d0: {  	[tilespmem:s11], [sflag:$0x2] =	stream.linear.gather [hbm4b:s10+s4], $0x80, $0x38;
	[tilespmem:$0x14F00] =	vst v63  }
0x1d1: {  	s13 =	simm.s32 $0x4580;
	s12 =	sadd.s32 $0x60, s0  }
0x1d2: {  	[tilespmem:s13], [sflag:$0x2] =	stream.linear.gather [hbm4b:s12+s4], $0x80, $0x38;
	[tilespmem:$0x14F00] =	vst v63  }
0x1d3: {  	s15 =	simm.s32 $0x4680;
	s14 =	sadd.s32 $0x70, s0  }
0x1d4: {  	[tilespmem:s15], [sflag:$0x2] =	stream.linear.gather [hbm4b:s14+s4], $0x80, $0x38;
	[tilespmem:$0x14F00] =	vst v63  }
0x1d5: {  	s17 =	simm.s32 $0x4780;
	s16 =	sadd.s32 $0x80, s0  }
0x1d6: {  	[tilespmem:s17], [sflag:$0x2] =	stream.linear.gather [hbm4b:s16+s4], $0x80, $0x38;
	[tilespmem:$0x14F00] =	vst v63  }
0x1d7: {  	s19 =	simm.s32 $0x4880;
	s18 =	sadd.s32 $0x90, s0  }
0x1d8: {  	[tilespmem:s19], [sflag:$0x2] =	stream.linear.gather [hbm4b:s18+s4], $0x80, $0x38;
	[tilespmem:$0x14F00] =	vst v63  }
0x1d9: {  	s21 =	simm.s32 $0x4980;
	s20 =	sadd.s32 $0xA0, s0  }
0x1da: {  	[tilespmem:s21], [sflag:$0x2] =	stream.linear.gather [hbm4b:s20+s4], $0x80, $0x38;
	[tilespmem:$0x14F00] =	vst v63  }
0x1db: {  	s23 =	simm.s32 $0x4A80;
	s22 =	sadd.s32 $0xB0, s0  }
0x1dc: {  	[tilespmem:s23], [sflag:$0x2] =	stream.linear.gather [hbm4b:s22+s4], $0x80, $0x38;
	[tilespmem:$0x14F00] =	vst v63  }
0x1dd: {  	s25 =	simm.s32 $0x4B80;
	s24 =	sadd.s32 $0xC0, s0  }
0x1de: {  	[tilespmem:s25], [sflag:$0x2] =	stream.linear.gather [hbm4b:s24+s4], $0x80, $0x38;
	[tilespmem:$0x14F00] =	vst v63  }
0x1df: {  	s28 =	simm.s32 $0x4C80;
	s26 =	sadd.s32 $0xD0, s0  }
0x1e0: {  	[tilespmem:s28], [sflag:$0x2] =	stream.linear.gather [hbm4b:s26+s4], $0x80, $0x38;
	[tilespmem:$0x14F00] =	vst v63  }
.Ltmp8:
0x1e1: {  	_ = 	snop;
	(pc) =	sbr.rel .LBB2_2-.Ltmp8, $4  }
0x1e2: {  	s29 =	sadd.s32 $0xE0, s0;
	s30 =	simm.s32 $0x4D80  }
0x1e3: {  	[tilespmem:s30], [sflag:$0x2] =	stream.linear.gather [hbm4b:s29+s4], $0x80, $0x38;
	[tilespmem:$0x14F00] =	vst v63  }
0x1e4: {  	s5 =	sadd.s32 $0x1, s5;
	s0 =	sadd.s32 $0xF0, s0;
	s31 =	simm.s32 $0x4E80  }
0x1e5: {  	[tilespmem:s31], [sflag:$0x2] =	stream.linear.gather [hbm4b:s0+s4], $0x80, $0x38;
	[tilespmem:$0x14F00] =	vst v63  }
.LBB2_13:
0x1e6: {  	_ =	sfence.sel $0x180000  }
0x1e7: {  	[bflag:$0x0] =	sbarrier.arrive $0xFFFF  }
0x1e8: {  	_ =	strace $0x90000047  }
0x1e9: {  	s0 =	stileid.u32;
	[bflag:$0x2] =	sbarrier.arrive $0xFFFF  }
0x1ea: {  	p0 =	sne.s32 s0, $0x0;
	s0 =	rddreg [dreg:$0x3]  }
0x1eb: {  	s0 =	sadd.s32 @!p0 $0x100000, s0  }
0x1ec: {  	[sflag:s0] =	ssyncadd.tile.s32 @!p0 $0x1;
	_ =	shalt  }
.Lfunc_end2:
_tile_overlayer_lowered:
.L_overlay_start_2:
0x1ed: {  	(tag) =	ssettag $0x2  }
0x1ee: {  	s0 =	rddreg [dreg:$0x0];
	s2 =	stileid.u32  }
0x1ef: {  	s1 =	rddreg [dreg:$0x1];
	p0 =	sne.s32 s2, $0x0  }
0x1f0: {  	s3 =	rddreg [dreg:$0x2];
	[bflag:$0x3] =	sbarrier.arrive $0xFFFF;
	s2 =	simm.s32 @!p0 $0x1C05  }
0x1f1: {  	[timem:s3], [sflag:s2] =	dma.local @!p0 [hbm:s0], s1  }
0x1f2: {  	s0 =	simm.s32 @!p0 $0x5  }
0x1f3: {  	_ =	swait.ge @!p0 [sflag:s0], s1  }
0x1f4: {  	s1 =	ssub.s32 @!p0 $0x0, s1;
	[sflag:s0] =	ssyncset.done @!p0 $0x0  }
0x1f5: {  	[sflag:s0] =	ssyncadd.s32 @!p0 s1  }
0x1f6: {  	[bflag:$0x3] =	sbarrier.arrive $0xFFFF  }
0x1f7: {  	_ =	shalt  }

</sc_bundles>
